<compile_context>
chip_gen: v7x
topology: tpu7x:2x2x1
jax: 0.10.2.dev20260603
libtpu: 0.0.44.dev20260713+nightly
codegen_flags: <defaults>
</compile_context>

<pallas_src>
import jax
import jax.numpy as jnp
from jax import lax
from jax.experimental import pallas as pl
from jax.experimental.pallas import tpu as pltpu
from jax.experimental.pallas import tpu_sc as plsc

_N = 32768
_D = 10
_NC = 2
_NS = 16
_NW = _NC * _NS
_TPW = _N // _NW
_L = 16
_GROUPS = _TPW // _L
_CHUNK = _TPW * _D


def _moe_body(x_hbm, w_hbm, p_hbm, out_hbm, xv, yv, wv, pv, sem0, sem1, sem2):
    c = lax.axis_index("c")
    s = lax.axis_index("s")
    wid = s * _NC + c
    base = wid * _CHUNK
    cx = pltpu.async_copy(x_hbm.at[pl.ds(base, _CHUNK)], xv, sem0)
    cw = pltpu.async_copy(w_hbm, wv, sem1)
    cp = pltpu.async_copy(p_hbm, pv, sem2)
    cw.wait()
    cp.wait()
    cx.wait()

    iota10 = lax.iota(jnp.int32, _L) * _D
    pa = pv[pl.ds(0, _L)]
    pb = pv[pl.ds(_L, _L)]
    wg0 = [pa[d] for d in range(_D)]
    wg1 = [pb[d] for d in range(_D)]
    bg0 = pa[_D]
    bg1 = pb[_D]
    pc = pv[pl.ds(2 * _L, _L)]
    bsum = [pc[j] for j in range(_D)]

    def bf16r(v):
        u = plsc.bitcast(v, jnp.uint32)
        r = (u >> jnp.uint32(16)) & jnp.uint32(1)
        u = (u + jnp.uint32(0x7FFF)) + r
        u = u & jnp.uint32(0xFFFF0000)
        return plsc.bitcast(u, jnp.float32)

    def group(i, carry):
        t0 = i * (_L * _D)
        xd = []
        for d in range(_D):
            xd.append(plsc.load_gather(xv, [iota10 + (t0 + d)]))
        xb = [bf16r(v) for v in xd]
        l0 = bg0 + xb[0] * wg0[0]
        l1 = bg1 + xb[0] * wg1[0]
        for d in range(1, _D):
            l0 = l0 + xb[d] * wg0[d]
            l1 = l1 + xb[d] * wg1[d]
        diff = l1 - l0
        selv = (diff > 0.0).astype(jnp.int32)
        scale = 1.0 / (1.0 + jnp.exp(-jnp.abs(diff)))
        for j in range(_D):
            w = plsc.load_gather(wv.at[pl.ds(8 * j, 8)], [selv])
            acc_a = xd[0] * w
            w = plsc.load_gather(wv.at[pl.ds(8 * (_D + j), 8)], [selv])
            acc_b = xd[1] * w
            for d in range(2, _D, 2):
                w = plsc.load_gather(wv.at[pl.ds(8 * (d * _D + j), 8)], [selv])
                acc_a = acc_a + xd[d] * w
                w = plsc.load_gather(wv.at[pl.ds(8 * ((d + 1) * _D + j), 8)], [selv])
                acc_b = acc_b + xd[d + 1] * w
            acc = bsum[j] + scale * (acc_a + acc_b)
            plsc.store_scatter(yv, [iota10 + (t0 + j)], acc)
        return carry

    lax.fori_loop(0, _GROUPS, group, 0)
    pltpu.sync_copy(yv, out_hbm.at[pl.ds(base, _CHUNK)])


def _bf16_round_host(a):
    u = lax.bitcast_convert_type(a, jnp.uint32)
    r = (u >> jnp.uint32(16)) & jnp.uint32(1)
    u = (u + jnp.uint32(0x7FFF)) + r
    u = u & jnp.uint32(0xFFFF0000)
    return lax.bitcast_convert_type(u, jnp.float32)


def kernel(x, Wg, bg, W1, b1, W2, b2):
    wgr = _bf16_round_host(Wg)
    bsum = b1 + b2
    pad5 = jnp.zeros((5,), jnp.float32)
    params = jnp.concatenate(
        [wgr[:, 0], bg[0][None], pad5,
         wgr[:, 1], bg[1][None], pad5,
         bsum, jnp.zeros((6,), jnp.float32)])
    w12 = jnp.stack([W1, W2], axis=-1).reshape(_D * _D, 2)
    wcat = jnp.pad(w12, ((0, 0), (0, 6))).reshape(-1)
    xflat = x.reshape(-1)

    run = pl.kernel(
        _moe_body,
        mesh=plsc.VectorSubcoreMesh(core_axis_name="c", subcore_axis_name="s"),
        out_type=jax.ShapeDtypeStruct((_N * _D,), jnp.float32),
        compiler_params=pltpu.CompilerParams(needs_layout_passes=False),
        scratch_types=[
            pltpu.VMEM((_CHUNK,), jnp.float32),
            pltpu.VMEM((_CHUNK,), jnp.float32),
            pltpu.VMEM((8 * _D * _D,), jnp.float32),
            pltpu.VMEM((3 * _L,), jnp.float32),
            pltpu.SemaphoreType.DMA,
            pltpu.SemaphoreType.DMA,
            pltpu.SemaphoreType.DMA,
        ],
    )
    out = run(xflat, wcat, params)
    return out.reshape(_N, _D)

# --- scband reference (transcript-rebuilt; emitter-appended) ---
"""Pipeline reference for scband-mo-e-32839319945482 (READ-ONLY COPY).

The authoritative reference and input builder live on the scoring server;
editing this copy changes nothing except your own understanding.
"""

import jax, jax.numpy as jnp
import numpy as np

N = 32768
D = 10
R = 2

def setup_inputs(seed: int = 0) -> dict:
    key = jax.random.key(seed)
    ks = jax.random.split(key, 7)
    x = jax.random.normal(ks[0], (N, D), dtype=jnp.float32)
    Wg = jax.random.normal(ks[1], (D, R), dtype=jnp.float32) * 0.1
    bg = jnp.zeros((R,), dtype=jnp.float32)
    W1 = jax.random.normal(ks[2], (D, D), dtype=jnp.float32) * (1.0 / np.sqrt(D))
    b1 = jax.random.normal(ks[3], (D,), dtype=jnp.float32) * 0.01
    W2 = jax.random.normal(ks[4], (D, D), dtype=jnp.float32) * (1.0 / np.sqrt(D))
    b2 = jax.random.normal(ks[5], (D,), dtype=jnp.float32) * 0.01
    return {"x": x, "Wg": Wg, "bg": bg, "W1": W1, "b1": b1, "W2": W2, "b2": b2}

def reference(x, Wg, bg, W1, b1, W2, b2):
    # TopKScatterRouter(route_num=2, gran_dim=10): gate -> softmax -> top-1 route,
    # scatter tokens into 2 dense zero-padded route tensors scaled by gate score.
    logits = x @ Wg + bg                      # [N, 2]
    probs = jax.nn.softmax(logits, axis=-1)   # [N, 2]
    top_val, top_idx = jax.lax.top_k(probs, 1)  # [N,1], [N,1]
    sel = top_idx[:, 0]                       # [N]
    scale = top_val[:, 0][:, None]            # [N,1]
    route0 = jnp.where((sel == 0)[:, None], x * scale, 0.0)
    route1 = jnp.where((sel == 1)[:, None], x * scale, 0.0)
    # experts applied to the dense zero-padded route tensors (as nn.Linear would be)
    x0 = route0 @ W1 + b1
    x1 = route1 @ W2 + b2
    return x0 + x1

if __name__ == "__main__":
    import jax
    _d = setup_inputs()
    print(jax.jit(kernel)(*tuple(_d.values())))

</pallas_src>

<mosaic_0001>
#map = affine_map<(d0, d1) -> (0)>
module attributes {stable_mosaic.version = 14 : i64} {
  func.func @_moe_body(%arg0: i32, %arg1: i32, %arg2: memref<327680xf32, #tpu.memory_space<hbm>>, %arg3: memref<800xf32, #tpu.memory_space<hbm>>, %arg4: memref<48xf32, #tpu.memory_space<hbm>>, %arg5: memref<327680xf32, #tpu.memory_space<hbm>>, %arg6: memref<10240xf32, #tpu.memory_space<vmem>>, %arg7: memref<10240xf32, #tpu.memory_space<vmem>>, %arg8: memref<800xf32, #tpu.memory_space<vmem>>, %arg9: memref<48xf32, #tpu.memory_space<vmem>>, %arg10: memref<!tpu.dma_semaphore, #tpu.memory_space<semaphore_mem>>, %arg11: memref<!tpu.dma_semaphore, #tpu.memory_space<semaphore_mem>>, %arg12: memref<!tpu.dma_semaphore, #tpu.memory_space<semaphore_mem>>) attributes {dimension_semantics = [#tpu.dimension_semantics<core_parallel>, #tpu.dimension_semantics<subcore_parallel>], iteration_bounds = array<i64: 2, 16>, scalar_prefetch = 0 : i64, scratch_operands = 7 : i64, tpu.core_type = #tpu.core_type<sc_vector_subcore>, window_params = [{transform_indices = #map}, {transform_indices = #map}, {transform_indices = #map}, {transform_indices = #map}]} {
    %mul3A = arith.constant 2 : i32
    %mul3A_0 = arith.muli %arg1, %mul3A : i32
    %add3A = arith.addi %mul3A_0, %arg0 : i32
    %mul3A_1 = arith.constant 10240 : i32
    %mul3A_2 = arith.muli %add3A, %mul3A_1 : i32
    %dma_start3A = tpu.memref_slice %arg2[%mul3A_2] : memref<327680xf32, #tpu.memory_space<hbm>> -> memref<10240xf32, #tpu.memory_space<hbm>>
    %dma_start3A_3 = tpu.memref_slice %arg2[%mul3A_2] : memref<327680xf32, #tpu.memory_space<hbm>> -> memref<10240xf32, #tpu.memory_space<hbm>>
    tpu.enqueue_dma source(%dma_start3A_3 : memref<10240xf32, #tpu.memory_space<hbm>>) target(%arg6 : memref<10240xf32, #tpu.memory_space<vmem>>) target_semaphore(%arg10 : memref<!tpu.dma_semaphore, #tpu.memory_space<semaphore_mem>>)
    tpu.enqueue_dma source(%arg3 : memref<800xf32, #tpu.memory_space<hbm>>) target(%arg8 : memref<800xf32, #tpu.memory_space<vmem>>) target_semaphore(%arg11 : memref<!tpu.dma_semaphore, #tpu.memory_space<semaphore_mem>>)
    tpu.enqueue_dma source(%arg4 : memref<48xf32, #tpu.memory_space<hbm>>) target(%arg9 : memref<48xf32, #tpu.memory_space<vmem>>) target_semaphore(%arg12 : memref<!tpu.dma_semaphore, #tpu.memory_space<semaphore_mem>>)
    tpu.wait_dma2 semaphore(%arg11 : memref<!tpu.dma_semaphore, #tpu.memory_space<semaphore_mem>>) src(%arg3 : memref<800xf32, #tpu.memory_space<hbm>>) dst(%arg8 : memref<800xf32, #tpu.memory_space<vmem>>)
    tpu.wait_dma2 semaphore(%arg12 : memref<!tpu.dma_semaphore, #tpu.memory_space<semaphore_mem>>) src(%arg4 : memref<48xf32, #tpu.memory_space<hbm>>) dst(%arg9 : memref<48xf32, #tpu.memory_space<vmem>>)
    %dma_wait3A = tpu.memref_slice %arg2[%mul3A_2] : memref<327680xf32, #tpu.memory_space<hbm>> -> memref<10240xf32, #tpu.memory_space<hbm>>
    %dma_wait3A_4 = tpu.memref_slice %arg2[%mul3A_2] : memref<327680xf32, #tpu.memory_space<hbm>> -> memref<10240xf32, #tpu.memory_space<hbm>>
    tpu.wait_dma2 semaphore(%arg10 : memref<!tpu.dma_semaphore, #tpu.memory_space<semaphore_mem>>) src(%dma_wait3A_4 : memref<10240xf32, #tpu.memory_space<hbm>>) dst(%arg6 : memref<10240xf32, #tpu.memory_space<vmem>>)
    %iota3A = tpu.iota {dimensions = array<i32: 0>} : vector<16xi32>
    %mul3A_5 = arith.constant 10 : i32
    %mul3A_6 = vector.broadcast %mul3A_5 : i32 to vector<16xi32>
    %mul3A_7 = arith.muli %iota3A, %mul3A_6 : vector<16xi32>
    %get3A = arith.constant 0 : index
    %get3A_8 = tpu.vector_load %arg9[%get3A] {strides = array<i32>} : memref<48xf32, #tpu.memory_space<vmem>>, vector<16xf32>,
    %get3A_9 = arith.constant 16 : index
    %get3A_10 = tpu.vector_load %arg9[%get3A_9] {strides = array<i32>} : memref<48xf32, #tpu.memory_space<vmem>>, vector<16xf32>,
    %slice3A = vector.extract_strided_slice %get3A_8 {offsets = [0], sizes = [1], strides = [1]} : vector<16xf32> to vector<1xf32>
    %squeeze3A = vector.extract %slice3A[0] : f32 from vector<1xf32>
    %slice3A_11 = vector.extract_strided_slice %get3A_8 {offsets = [1], sizes = [1], strides = [1]} : vector<16xf32> to vector<1xf32>
    %squeeze3A_12 = vector.extract %slice3A_11[0] : f32 from vector<1xf32>
    %slice3A_13 = vector.extract_strided_slice %get3A_8 {offsets = [2], sizes = [1], strides = [1]} : vector<16xf32> to vector<1xf32>
    %squeeze3A_14 = vector.extract %slice3A_13[0] : f32 from vector<1xf32>
    %slice3A_15 = vector.extract_strided_slice %get3A_8 {offsets = [3], sizes = [1], strides = [1]} : vector<16xf32> to vector<1xf32>
    %squeeze3A_16 = vector.extract %slice3A_15[0] : f32 from vector<1xf32>
    %slice3A_17 = vector.extract_strided_slice %get3A_8 {offsets = [4], sizes = [1], strides = [1]} : vector<16xf32> to vector<1xf32>
    %squeeze3A_18 = vector.extract %slice3A_17[0] : f32 from vector<1xf32>
    %slice3A_19 = vector.extract_strided_slice %get3A_8 {offsets = [5], sizes = [1], strides = [1]} : vector<16xf32> to vector<1xf32>
    %squeeze3A_20 = vector.extract %slice3A_19[0] : f32 from vector<1xf32>
    %slice3A_21 = vector.extract_strided_slice %get3A_8 {offsets = [6], sizes = [1], strides = [1]} : vector<16xf32> to vector<1xf32>
    %squeeze3A_22 = vector.extract %slice3A_21[0] : f32 from vector<1xf32>
    %slice3A_23 = vector.extract_strided_slice %get3A_8 {offsets = [7], sizes = [1], strides = [1]} : vector<16xf32> to vector<1xf32>
    %squeeze3A_24 = vector.extract %slice3A_23[0] : f32 from vector<1xf32>
    %slice3A_25 = vector.extract_strided_slice %get3A_8 {offsets = [8], sizes = [1], strides = [1]} : vector<16xf32> to vector<1xf32>
    %squeeze3A_26 = vector.extract %slice3A_25[0] : f32 from vector<1xf32>
    %slice3A_27 = vector.extract_strided_slice %get3A_8 {offsets = [9], sizes = [1], strides = [1]} : vector<16xf32> to vector<1xf32>
    %squeeze3A_28 = vector.extract %slice3A_27[0] : f32 from vector<1xf32>
    %slice3A_29 = vector.extract_strided_slice %get3A_10 {offsets = [0], sizes = [1], strides = [1]} : vector<16xf32> to vector<1xf32>
    %squeeze3A_30 = vector.extract %slice3A_29[0] : f32 from vector<1xf32>
    %slice3A_31 = vector.extract_strided_slice %get3A_10 {offsets = [1], sizes = [1], strides = [1]} : vector<16xf32> to vector<1xf32>
    %squeeze3A_32 = vector.extract %slice3A_31[0] : f32 from vector<1xf32>
    %slice3A_33 = vector.extract_strided_slice %get3A_10 {offsets = [2], sizes = [1], strides = [1]} : vector<16xf32> to vector<1xf32>
    %squeeze3A_34 = vector.extract %slice3A_33[0] : f32 from vector<1xf32>
    %slice3A_35 = vector.extract_strided_slice %get3A_10 {offsets = [3], sizes = [1], strides = [1]} : vector<16xf32> to vector<1xf32>
    %squeeze3A_36 = vector.extract %slice3A_35[0] : f32 from vector<1xf32>
    %slice3A_37 = vector.extract_strided_slice %get3A_10 {offsets = [4], sizes = [1], strides = [1]} : vector<16xf32> to vector<1xf32>
    %squeeze3A_38 = vector.extract %slice3A_37[0] : f32 from vector<1xf32>
    %slice3A_39 = vector.extract_strided_slice %get3A_10 {offsets = [5], sizes = [1], strides = [1]} : vector<16xf32> to vector<1xf32>
    %squeeze3A_40 = vector.extract %slice3A_39[0] : f32 from vector<1xf32>
    %slice3A_41 = vector.extract_strided_slice %get3A_10 {offsets = [6], sizes = [1], strides = [1]} : vector<16xf32> to vector<1xf32>
    %squeeze3A_42 = vector.extract %slice3A_41[0] : f32 from vector<1xf32>
    %slice3A_43 = vector.extract_strided_slice %get3A_10 {offsets = [7], sizes = [1], strides = [1]} : vector<16xf32> to vector<1xf32>
    %squeeze3A_44 = vector.extract %slice3A_43[0] : f32 from vector<1xf32>
    %slice3A_45 = vector.extract_strided_slice %get3A_10 {offsets = [8], sizes = [1], strides = [1]} : vector<16xf32> to vector<1xf32>
    %squeeze3A_46 = vector.extract %slice3A_45[0] : f32 from vector<1xf32>
    %slice3A_47 = vector.extract_strided_slice %get3A_10 {offsets = [9], sizes = [1], strides = [1]} : vector<16xf32> to vector<1xf32>
    %squeeze3A_48 = vector.extract %slice3A_47[0] : f32 from vector<1xf32>
    %slice3A_49 = vector.extract_strided_slice %get3A_8 {offsets = [10], sizes = [1], strides = [1]} : vector<16xf32> to vector<1xf32>
    %squeeze3A_50 = vector.extract %slice3A_49[0] : f32 from vector<1xf32>
    %slice3A_51 = vector.extract_strided_slice %get3A_10 {offsets = [10], sizes = [1], strides = [1]} : vector<16xf32> to vector<1xf32>
    %squeeze3A_52 = vector.extract %slice3A_51[0] : f32 from vector<1xf32>
    %get3A_53 = arith.constant 32 : index
    %get3A_54 = tpu.vector_load %arg9[%get3A_53] {strides = array<i32>} : memref<48xf32, #tpu.memory_space<vmem>>, vector<16xf32>,
    %slice3A_55 = vector.extract_strided_slice %get3A_54 {offsets = [0], sizes = [1], strides = [1]} : vector<16xf32> to vector<1xf32>
    %squeeze3A_56 = vector.extract %slice3A_55[0] : f32 from vector<1xf32>
    %slice3A_57 = vector.extract_strided_slice %get3A_54 {offsets = [1], sizes = [1], strides = [1]} : vector<16xf32> to vector<1xf32>
    %squeeze3A_58 = vector.extract %slice3A_57[0] : f32 from vector<1xf32>
    %slice3A_59 = vector.extract_strided_slice %get3A_54 {offsets = [2], sizes = [1], strides = [1]} : vector<16xf32> to vector<1xf32>
    %squeeze3A_60 = vector.extract %slice3A_59[0] : f32 from vector<1xf32>
    %slice3A_61 = vector.extract_strided_slice %get3A_54 {offsets = [3], sizes = [1], strides = [1]} : vector<16xf32> to vector<1xf32>
    %squeeze3A_62 = vector.extract %slice3A_61[0] : f32 from vector<1xf32>
    %slice3A_63 = vector.extract_strided_slice %get3A_54 {offsets = [4], sizes = [1], strides = [1]} : vector<16xf32> to vector<1xf32>
    %squeeze3A_64 = vector.extract %slice3A_63[0] : f32 from vector<1xf32>
    %slice3A_65 = vector.extract_strided_slice %get3A_54 {offsets = [5], sizes = [1], strides = [1]} : vector<16xf32> to vector<1xf32>
    %squeeze3A_66 = vector.extract %slice3A_65[0] : f32 from vector<1xf32>
    %slice3A_67 = vector.extract_strided_slice %get3A_54 {offsets = [6], sizes = [1], strides = [1]} : vector<16xf32> to vector<1xf32>
    %squeeze3A_68 = vector.extract %slice3A_67[0] : f32 from vector<1xf32>
    %slice3A_69 = vector.extract_strided_slice %get3A_54 {offsets = [7], sizes = [1], strides = [1]} : vector<16xf32> to vector<1xf32>
    %squeeze3A_70 = vector.extract %slice3A_69[0] : f32 from vector<1xf32>
    %slice3A_71 = vector.extract_strided_slice %get3A_54 {offsets = [8], sizes = [1], strides = [1]} : vector<16xf32> to vector<1xf32>
    %squeeze3A_72 = vector.extract %slice3A_71[0] : f32 from vector<1xf32>
    %slice3A_73 = vector.extract_strided_slice %get3A_54 {offsets = [9], sizes = [1], strides = [1]} : vector<16xf32> to vector<1xf32>
    %squeeze3A_74 = vector.extract %slice3A_73[0] : f32 from vector<1xf32>
    %scan3A = arith.constant 0 : i32
    %scan3A_75 = arith.constant 0 : i32
    %scan3A_76 = arith.constant 64 : i32
    %scan3A_77 = arith.addi %scan3A_75, %scan3A_76 : i32
    %scan3A_78 = arith.constant 1 : i32
    scf.for %scan3A_80 = %scan3A_75 to %scan3A_77 step %scan3A_78  : i32 {
      %mul3A_81 = arith.constant 160 : i32
      %mul3A_82 = arith.muli %scan3A_80, %mul3A_81 : i32
      %add3A_83 = arith.constant 0 : i32
      %add3A_84 = arith.addi %mul3A_82, %add3A_83 : i32
      %add3A_85 = vector.broadcast %add3A_84 : i32 to vector<16xi32>
      %add3A_86 = arith.addi %mul3A_7, %add3A_85 : vector<16xi32>
      %gather3A = tpu.vector_load_idx %arg6[%add3A_86] : memref<10240xf32, #tpu.memory_space<vmem>>[vector<16xi32>], vector<16xf32>,
      %add3A_87 = arith.constant 1 : i32
      %add3A_88 = arith.addi %mul3A_82, %add3A_87 : i32
      %add3A_89 = vector.broadcast %add3A_88 : i32 to vector<16xi32>
      %add3A_90 = arith.addi %mul3A_7, %add3A_89 : vector<16xi32>
      %gather3A_91 = tpu.vector_load_idx %arg6[%add3A_90] : memref<10240xf32, #tpu.memory_space<vmem>>[vector<16xi32>], vector<16xf32>,
      %add3A_92 = arith.constant 2 : i32
      %add3A_93 = arith.addi %mul3A_82, %add3A_92 : i32
      %add3A_94 = vector.broadcast %add3A_93 : i32 to vector<16xi32>
      %add3A_95 = arith.addi %mul3A_7, %add3A_94 : vector<16xi32>
      %gather3A_96 = tpu.vector_load_idx %arg6[%add3A_95] : memref<10240xf32, #tpu.memory_space<vmem>>[vector<16xi32>], vector<16xf32>,
      %add3A_97 = arith.constant 3 : i32
      %add3A_98 = arith.addi %mul3A_82, %add3A_97 : i32
      %add3A_99 = vector.broadcast %add3A_98 : i32 to vector<16xi32>
      %add3A_100 = arith.addi %mul3A_7, %add3A_99 : vector<16xi32>
      %gather3A_101 = tpu.vector_load_idx %arg6[%add3A_100] : memref<10240xf32, #tpu.memory_space<vmem>>[vector<16xi32>], vector<16xf32>,
      %add3A_102 = arith.constant 4 : i32
      %add3A_103 = arith.addi %mul3A_82, %add3A_102 : i32
      %add3A_104 = vector.broadcast %add3A_103 : i32 to vector<16xi32>
      %add3A_105 = arith.addi %mul3A_7, %add3A_104 : vector<16xi32>
      %gather3A_106 = tpu.vector_load_idx %arg6[%add3A_105] : memref<10240xf32, #tpu.memory_space<vmem>>[vector<16xi32>], vector<16xf32>,
      %add3A_107 = arith.constant 5 : i32
      %add3A_108 = arith.addi %mul3A_82, %add3A_107 : i32
      %add3A_109 = vector.broadcast %add3A_108 : i32 to vector<16xi32>
      %add3A_110 = arith.addi %mul3A_7, %add3A_109 : vector<16xi32>
      %gather3A_111 = tpu.vector_load_idx %arg6[%add3A_110] : memref<10240xf32, #tpu.memory_space<vmem>>[vector<16xi32>], vector<16xf32>,
      %add3A_112 = arith.constant 6 : i32
      %add3A_113 = arith.addi %mul3A_82, %add3A_112 : i32
      %add3A_114 = vector.broadcast %add3A_113 : i32 to vector<16xi32>
      %add3A_115 = arith.addi %mul3A_7, %add3A_114 : vector<16xi32>
      %gather3A_116 = tpu.vector_load_idx %arg6[%add3A_115] : memref<10240xf32, #tpu.memory_space<vmem>>[vector<16xi32>], vector<16xf32>,
      %add3A_117 = arith.constant 7 : i32
      %add3A_118 = arith.addi %mul3A_82, %add3A_117 : i32
      %add3A_119 = vector.broadcast %add3A_118 : i32 to vector<16xi32>
      %add3A_120 = arith.addi %mul3A_7, %add3A_119 : vector<16xi32>
      %gather3A_121 = tpu.vector_load_idx %arg6[%add3A_120] : memref<10240xf32, #tpu.memory_space<vmem>>[vector<16xi32>], vector<16xf32>,
      %add3A_122 = arith.constant 8 : i32
      %add3A_123 = arith.addi %mul3A_82, %add3A_122 : i32
      %add3A_124 = vector.broadcast %add3A_123 : i32 to vector<16xi32>
      %add3A_125 = arith.addi %mul3A_7, %add3A_124 : vector<16xi32>
      %gather3A_126 = tpu.vector_load_idx %arg6[%add3A_125] : memref<10240xf32, #tpu.memory_space<vmem>>[vector<16xi32>], vector<16xf32>,
      %add3A_127 = arith.constant 9 : i32
      %add3A_128 = arith.addi %mul3A_82, %add3A_127 : i32
      %add3A_129 = vector.broadcast %add3A_128 : i32 to vector<16xi32>
      %add3A_130 = arith.addi %mul3A_7, %add3A_129 : vector<16xi32>
      %gather3A_131 = tpu.vector_load_idx %arg6[%add3A_130] : memref<10240xf32, #tpu.memory_space<vmem>>[vector<16xi32>], vector<16xf32>,
      %bitcast3A = vector.bitcast %gather3A : vector<16xf32> to vector<16xi32>
      %shift_right_logical3A = arith.constant 16 : i32
      %shift_right_logical3A_132 = vector.broadcast %shift_right_logical3A : i32 to vector<16xi32>
      %shift_right_logical3A_133 = arith.shrui %bitcast3A, %shift_right_logical3A_132 : vector<16xi32>
      %and3A = arith.constant 1 : i32
      %and3A_134 = vector.broadcast %and3A : i32 to vector<16xi32>
      %and3A_135 = arith.andi %shift_right_logical3A_133, %and3A_134 : vector<16xi32>
      %add3A_136 = arith.constant 32767 : i32
      %add3A_137 = vector.broadcast %add3A_136 : i32 to vector<16xi32>
      %add3A_138 = arith.addi %bitcast3A, %add3A_137 : vector<16xi32>
      %add3A_139 = arith.addi %add3A_138, %and3A_135 : vector<16xi32>
      %and3A_140 = arith.constant -65536 : i32
      %and3A_141 = vector.broadcast %and3A_140 : i32 to vector<16xi32>
      %and3A_142 = arith.andi %add3A_139, %and3A_141 : vector<16xi32>
      %bitcast3A_143 = vector.bitcast %and3A_142 : vector<16xi32> to vector<16xf32>
      %bitcast3A_144 = vector.bitcast %gather3A_91 : vector<16xf32> to vector<16xi32>
      %shift_right_logical3A_145 = arith.constant 16 : i32
      %shift_right_logical3A_146 = vector.broadcast %shift_right_logical3A_145 : i32 to vector<16xi32>
      %shift_right_logical3A_147 = arith.shrui %bitcast3A_144, %shift_right_logical3A_146 : vector<16xi32>
      %and3A_148 = arith.constant 1 : i32
      %and3A_149 = vector.broadcast %and3A_148 : i32 to vector<16xi32>
      %and3A_150 = arith.andi %shift_right_logical3A_147, %and3A_149 : vector<16xi32>
      %add3A_151 = arith.constant 32767 : i32
      %add3A_152 = vector.broadcast %add3A_151 : i32 to vector<16xi32>
      %add3A_153 = arith.addi %bitcast3A_144, %add3A_152 : vector<16xi32>
      %add3A_154 = arith.addi %add3A_153, %and3A_150 : vector<16xi32>
      %and3A_155 = arith.constant -65536 : i32
      %and3A_156 = vector.broadcast %and3A_155 : i32 to vector<16xi32>
      %and3A_157 = arith.andi %add3A_154, %and3A_156 : vector<16xi32>
      %bitcast3A_158 = vector.bitcast %and3A_157 : vector<16xi32> to vector<16xf32>
      %bitcast3A_159 = vector.bitcast %gather3A_96 : vector<16xf32> to vector<16xi32>
      %shift_right_logical3A_160 = arith.constant 16 : i32
      %shift_right_logical3A_161 = vector.broadcast %shift_right_logical3A_160 : i32 to vector<16xi32>
      %shift_right_logical3A_162 = arith.shrui %bitcast3A_159, %shift_right_logical3A_161 : vector<16xi32>
      %and3A_163 = arith.constant 1 : i32
      %and3A_164 = vector.broadcast %and3A_163 : i32 to vector<16xi32>
      %and3A_165 = arith.andi %shift_right_logical3A_162, %and3A_164 : vector<16xi32>
      %add3A_166 = arith.constant 32767 : i32
      %add3A_167 = vector.broadcast %add3A_166 : i32 to vector<16xi32>
      %add3A_168 = arith.addi %bitcast3A_159, %add3A_167 : vector<16xi32>
      %add3A_169 = arith.addi %add3A_168, %and3A_165 : vector<16xi32>
      %and3A_170 = arith.constant -65536 : i32
      %and3A_171 = vector.broadcast %and3A_170 : i32 to vector<16xi32>
      %and3A_172 = arith.andi %add3A_169, %and3A_171 : vector<16xi32>
      %bitcast3A_173 = vector.bitcast %and3A_172 : vector<16xi32> to vector<16xf32>
      %bitcast3A_174 = vector.bitcast %gather3A_101 : vector<16xf32> to vector<16xi32>
      %shift_right_logical3A_175 = arith.constant 16 : i32
      %shift_right_logical3A_176 = vector.broadcast %shift_right_logical3A_175 : i32 to vector<16xi32>
      %shift_right_logical3A_177 = arith.shrui %bitcast3A_174, %shift_right_logical3A_176 : vector<16xi32>
      %and3A_178 = arith.constant 1 : i32
      %and3A_179 = vector.broadcast %and3A_178 : i32 to vector<16xi32>
      %and3A_180 = arith.andi %shift_right_logical3A_177, %and3A_179 : vector<16xi32>
      %add3A_181 = arith.constant 32767 : i32
      %add3A_182 = vector.broadcast %add3A_181 : i32 to vector<16xi32>
      %add3A_183 = arith.addi %bitcast3A_174, %add3A_182 : vector<16xi32>
      %add3A_184 = arith.addi %add3A_183, %and3A_180 : vector<16xi32>
      %and3A_185 = arith.constant -65536 : i32
      %and3A_186 = vector.broadcast %and3A_185 : i32 to vector<16xi32>
      %and3A_187 = arith.andi %add3A_184, %and3A_186 : vector<16xi32>
      %bitcast3A_188 = vector.bitcast %and3A_187 : vector<16xi32> to vector<16xf32>
      %bitcast3A_189 = vector.bitcast %gather3A_106 : vector<16xf32> to vector<16xi32>
      %shift_right_logical3A_190 = arith.constant 16 : i32
      %shift_right_logical3A_191 = vector.broadcast %shift_right_logical3A_190 : i32 to vector<16xi32>
      %shift_right_logical3A_192 = arith.shrui %bitcast3A_189, %shift_right_logical3A_191 : vector<16xi32>
      %and3A_193 = arith.constant 1 : i32
      %and3A_194 = vector.broadcast %and3A_193 : i32 to vector<16xi32>
      %and3A_195 = arith.andi %shift_right_logical3A_192, %and3A_194 : vector<16xi32>
      %add3A_196 = arith.constant 32767 : i32
      %add3A_197 = vector.broadcast %add3A_196 : i32 to vector<16xi32>
      %add3A_198 = arith.addi %bitcast3A_189, %add3A_197 : vector<16xi32>
      %add3A_199 = arith.addi %add3A_198, %and3A_195 : vector<16xi32>
      %and3A_200 = arith.constant -65536 : i32
      %and3A_201 = vector.broadcast %and3A_200 : i32 to vector<16xi32>
      %and3A_202 = arith.andi %add3A_199, %and3A_201 : vector<16xi32>
      %bitcast3A_203 = vector.bitcast %and3A_202 : vector<16xi32> to vector<16xf32>
      %bitcast3A_204 = vector.bitcast %gather3A_111 : vector<16xf32> to vector<16xi32>
      %shift_right_logical3A_205 = arith.constant 16 : i32
      %shift_right_logical3A_206 = vector.broadcast %shift_right_logical3A_205 : i32 to vector<16xi32>
      %shift_right_logical3A_207 = arith.shrui %bitcast3A_204, %shift_right_logical3A_206 : vector<16xi32>
      %and3A_208 = arith.constant 1 : i32
      %and3A_209 = vector.broadcast %and3A_208 : i32 to vector<16xi32>
      %and3A_210 = arith.andi %shift_right_logical3A_207, %and3A_209 : vector<16xi32>
      %add3A_211 = arith.constant 32767 : i32
      %add3A_212 = vector.broadcast %add3A_211 : i32 to vector<16xi32>
      %add3A_213 = arith.addi %bitcast3A_204, %add3A_212 : vector<16xi32>
      %add3A_214 = arith.addi %add3A_213, %and3A_210 : vector<16xi32>
      %and3A_215 = arith.constant -65536 : i32
      %and3A_216 = vector.broadcast %and3A_215 : i32 to vector<16xi32>
      %and3A_217 = arith.andi %add3A_214, %and3A_216 : vector<16xi32>
      %bitcast3A_218 = vector.bitcast %and3A_217 : vector<16xi32> to vector<16xf32>
      %bitcast3A_219 = vector.bitcast %gather3A_116 : vector<16xf32> to vector<16xi32>
      %shift_right_logical3A_220 = arith.constant 16 : i32
      %shift_right_logical3A_221 = vector.broadcast %shift_right_logical3A_220 : i32 to vector<16xi32>
      %shift_right_logical3A_222 = arith.shrui %bitcast3A_219, %shift_right_logical3A_221 : vector<16xi32>
      %and3A_223 = arith.constant 1 : i32
      %and3A_224 = vector.broadcast %and3A_223 : i32 to vector<16xi32>
      %and3A_225 = arith.andi %shift_right_logical3A_222, %and3A_224 : vector<16xi32>
      %add3A_226 = arith.constant 32767 : i32
      %add3A_227 = vector.broadcast %add3A_226 : i32 to vector<16xi32>
      %add3A_228 = arith.addi %bitcast3A_219, %add3A_227 : vector<16xi32>
      %add3A_229 = arith.addi %add3A_228, %and3A_225 : vector<16xi32>
      %and3A_230 = arith.constant -65536 : i32
      %and3A_231 = vector.broadcast %and3A_230 : i32 to vector<16xi32>
      %and3A_232 = arith.andi %add3A_229, %and3A_231 : vector<16xi32>
      %bitcast3A_233 = vector.bitcast %and3A_232 : vector<16xi32> to vector<16xf32>
      %bitcast3A_234 = vector.bitcast %gather3A_121 : vector<16xf32> to vector<16xi32>
      %shift_right_logical3A_235 = arith.constant 16 : i32
      %shift_right_logical3A_236 = vector.broadcast %shift_right_logical3A_235 : i32 to vector<16xi32>
      %shift_right_logical3A_237 = arith.shrui %bitcast3A_234, %shift_right_logical3A_236 : vector<16xi32>
      %and3A_238 = arith.constant 1 : i32
      %and3A_239 = vector.broadcast %and3A_238 : i32 to vector<16xi32>
      %and3A_240 = arith.andi %shift_right_logical3A_237, %and3A_239 : vector<16xi32>
      %add3A_241 = arith.constant 32767 : i32
      %add3A_242 = vector.broadcast %add3A_241 : i32 to vector<16xi32>
      %add3A_243 = arith.addi %bitcast3A_234, %add3A_242 : vector<16xi32>
      %add3A_244 = arith.addi %add3A_243, %and3A_240 : vector<16xi32>
      %and3A_245 = arith.constant -65536 : i32
      %and3A_246 = vector.broadcast %and3A_245 : i32 to vector<16xi32>
      %and3A_247 = arith.andi %add3A_244, %and3A_246 : vector<16xi32>
      %bitcast3A_248 = vector.bitcast %and3A_247 : vector<16xi32> to vector<16xf32>
      %bitcast3A_249 = vector.bitcast %gather3A_126 : vector<16xf32> to vector<16xi32>
      %shift_right_logical3A_250 = arith.constant 16 : i32
      %shift_right_logical3A_251 = vector.broadcast %shift_right_logical3A_250 : i32 to vector<16xi32>
      %shift_right_logical3A_252 = arith.shrui %bitcast3A_249, %shift_right_logical3A_251 : vector<16xi32>
      %and3A_253 = arith.constant 1 : i32
      %and3A_254 = vector.broadcast %and3A_253 : i32 to vector<16xi32>
      %and3A_255 = arith.andi %shift_right_logical3A_252, %and3A_254 : vector<16xi32>
      %add3A_256 = arith.constant 32767 : i32
      %add3A_257 = vector.broadcast %add3A_256 : i32 to vector<16xi32>
      %add3A_258 = arith.addi %bitcast3A_249, %add3A_257 : vector<16xi32>
      %add3A_259 = arith.addi %add3A_258, %and3A_255 : vector<16xi32>
      %and3A_260 = arith.constant -65536 : i32
      %and3A_261 = vector.broadcast %and3A_260 : i32 to vector<16xi32>
      %and3A_262 = arith.andi %add3A_259, %and3A_261 : vector<16xi32>
      %bitcast3A_263 = vector.bitcast %and3A_262 : vector<16xi32> to vector<16xf32>
      %bitcast3A_264 = vector.bitcast %gather3A_131 : vector<16xf32> to vector<16xi32>
      %shift_right_logical3A_265 = arith.constant 16 : i32
      %shift_right_logical3A_266 = vector.broadcast %shift_right_logical3A_265 : i32 to vector<16xi32>
      %shift_right_logical3A_267 = arith.shrui %bitcast3A_264, %shift_right_logical3A_266 : vector<16xi32>
      %and3A_268 = arith.constant 1 : i32
      %and3A_269 = vector.broadcast %and3A_268 : i32 to vector<16xi32>
      %and3A_270 = arith.andi %shift_right_logical3A_267, %and3A_269 : vector<16xi32>
      %add3A_271 = arith.constant 32767 : i32
      %add3A_272 = vector.broadcast %add3A_271 : i32 to vector<16xi32>
      %add3A_273 = arith.addi %bitcast3A_264, %add3A_272 : vector<16xi32>
      %add3A_274 = arith.addi %add3A_273, %and3A_270 : vector<16xi32>
      %and3A_275 = arith.constant -65536 : i32
      %and3A_276 = vector.broadcast %and3A_275 : i32 to vector<16xi32>
      %and3A_277 = arith.andi %add3A_274, %and3A_276 : vector<16xi32>
      %bitcast3A_278 = vector.bitcast %and3A_277 : vector<16xi32> to vector<16xf32>
      %mul3A_279 = vector.broadcast %squeeze3A : f32 to vector<16xf32>
      %mul3A_280 = arith.mulf %bitcast3A_143, %mul3A_279 : vector<16xf32>
      %add3A_281 = vector.broadcast %squeeze3A_50 : f32 to vector<16xf32>
      %add3A_282 = arith.addf %add3A_281, %mul3A_280 : vector<16xf32>
      %mul3A_283 = vector.broadcast %squeeze3A_30 : f32 to vector<16xf32>
      %mul3A_284 = arith.mulf %bitcast3A_143, %mul3A_283 : vector<16xf32>
      %add3A_285 = vector.broadcast %squeeze3A_52 : f32 to vector<16xf32>
      %add3A_286 = arith.addf %add3A_285, %mul3A_284 : vector<16xf32>
      %mul3A_287 = vector.broadcast %squeeze3A_12 : f32 to vector<16xf32>
      %mul3A_288 = arith.mulf %bitcast3A_158, %mul3A_287 : vector<16xf32>
      %add3A_289 = arith.addf %add3A_282, %mul3A_288 : vector<16xf32>
      %mul3A_290 = vector.broadcast %squeeze3A_32 : f32 to vector<16xf32>
      %mul3A_291 = arith.mulf %bitcast3A_158, %mul3A_290 : vector<16xf32>
      %add3A_292 = arith.addf %add3A_286, %mul3A_291 : vector<16xf32>
      %mul3A_293 = vector.broadcast %squeeze3A_14 : f32 to vector<16xf32>
      %mul3A_294 = arith.mulf %bitcast3A_173, %mul3A_293 : vector<16xf32>
      %add3A_295 = arith.addf %add3A_289, %mul3A_294 : vector<16xf32>
      %mul3A_296 = vector.broadcast %squeeze3A_34 : f32 to vector<16xf32>
      %mul3A_297 = arith.mulf %bitcast3A_173, %mul3A_296 : vector<16xf32>
      %add3A_298 = arith.addf %add3A_292, %mul3A_297 : vector<16xf32>
      %mul3A_299 = vector.broadcast %squeeze3A_16 : f32 to vector<16xf32>
      %mul3A_300 = arith.mulf %bitcast3A_188, %mul3A_299 : vector<16xf32>
      %add3A_301 = arith.addf %add3A_295, %mul3A_300 : vector<16xf32>
      %mul3A_302 = vector.broadcast %squeeze3A_36 : f32 to vector<16xf32>
      %mul3A_303 = arith.mulf %bitcast3A_188, %mul3A_302 : vector<16xf32>
      %add3A_304 = arith.addf %add3A_298, %mul3A_303 : vector<16xf32>
      %mul3A_305 = vector.broadcast %squeeze3A_18 : f32 to vector<16xf32>
      %mul3A_306 = arith.mulf %bitcast3A_203, %mul3A_305 : vector<16xf32>
      %add3A_307 = arith.addf %add3A_301, %mul3A_306 : vector<16xf32>
      %mul3A_308 = vector.broadcast %squeeze3A_38 : f32 to vector<16xf32>
      %mul3A_309 = arith.mulf %bitcast3A_203, %mul3A_308 : vector<16xf32>
      %add3A_310 = arith.addf %add3A_304, %mul3A_309 : vector<16xf32>
      %mul3A_311 = vector.broadcast %squeeze3A_20 : f32 to vector<16xf32>
      %mul3A_312 = arith.mulf %bitcast3A_218, %mul3A_311 : vector<16xf32>
      %add3A_313 = arith.addf %add3A_307, %mul3A_312 : vector<16xf32>
      %mul3A_314 = vector.broadcast %squeeze3A_40 : f32 to vector<16xf32>
      %mul3A_315 = arith.mulf %bitcast3A_218, %mul3A_314 : vector<16xf32>
      %add3A_316 = arith.addf %add3A_310, %mul3A_315 : vector<16xf32>
      %mul3A_317 = vector.broadcast %squeeze3A_22 : f32 to vector<16xf32>
      %mul3A_318 = arith.mulf %bitcast3A_233, %mul3A_317 : vector<16xf32>
      %add3A_319 = arith.addf %add3A_313, %mul3A_318 : vector<16xf32>
      %mul3A_320 = vector.broadcast %squeeze3A_42 : f32 to vector<16xf32>
      %mul3A_321 = arith.mulf %bitcast3A_233, %mul3A_320 : vector<16xf32>
      %add3A_322 = arith.addf %add3A_316, %mul3A_321 : vector<16xf32>
      %mul3A_323 = vector.broadcast %squeeze3A_24 : f32 to vector<16xf32>
      %mul3A_324 = arith.mulf %bitcast3A_248, %mul3A_323 : vector<16xf32>
      %add3A_325 = arith.addf %add3A_319, %mul3A_324 : vector<16xf32>
      %mul3A_326 = vector.broadcast %squeeze3A_44 : f32 to vector<16xf32>
      %mul3A_327 = arith.mulf %bitcast3A_248, %mul3A_326 : vector<16xf32>
      %add3A_328 = arith.addf %add3A_322, %mul3A_327 : vector<16xf32>
      %mul3A_329 = vector.broadcast %squeeze3A_26 : f32 to vector<16xf32>
      %mul3A_330 = arith.mulf %bitcast3A_263, %mul3A_329 : vector<16xf32>
      %add3A_331 = arith.addf %add3A_325, %mul3A_330 : vector<16xf32>
      %mul3A_332 = vector.broadcast %squeeze3A_46 : f32 to vector<16xf32>
      %mul3A_333 = arith.mulf %bitcast3A_263, %mul3A_332 : vector<16xf32>
      %add3A_334 = arith.addf %add3A_328, %mul3A_333 : vector<16xf32>
      %mul3A_335 = vector.broadcast %squeeze3A_28 : f32 to vector<16xf32>
      %mul3A_336 = arith.mulf %bitcast3A_278, %mul3A_335 : vector<16xf32>
      %add3A_337 = arith.addf %add3A_331, %mul3A_336 : vector<16xf32>
      %mul3A_338 = vector.broadcast %squeeze3A_48 : f32 to vector<16xf32>
      %mul3A_339 = arith.mulf %bitcast3A_278, %mul3A_338 : vector<16xf32>
      %add3A_340 = arith.addf %add3A_334, %mul3A_339 : vector<16xf32>
      %sub3A = arith.subf %add3A_340, %add3A_337 : vector<16xf32>
      %gt3A = arith.constant 0.000000e+00 : f32
      %gt3A_341 = vector.broadcast %gt3A : f32 to vector<16xf32>
      %gt3A_342 = arith.cmpf ogt, %sub3A, %gt3A_341 : vector<16xf32>
      %convert_element_type3A = arith.extui %gt3A_342 : vector<16xi1> to vector<16xi32>
      %abs3A = math.absf %sub3A : vector<16xf32>
      %neg3A = arith.constant 0.000000e+00 : f32
      %neg3A_343 = vector.broadcast %neg3A : f32 to vector<16xf32>
      %neg3A_344 = arith.subf %neg3A_343, %abs3A : vector<16xf32>
      %exp3A = math.exp %neg3A_344 : vector<16xf32>
      %add3A_345 = arith.constant 1.000000e+00 : f32
      %add3A_346 = vector.broadcast %add3A_345 : f32 to vector<16xf32>
      %add3A_347 = arith.addf %add3A_346, %exp3A : vector<16xf32>
      %div3A = arith.constant 1.000000e+00 : f32
      %div3A_348 = vector.broadcast %div3A : f32 to vector<16xf32>
      %div3A_349 = arith.divf %div3A_348, %add3A_347 : vector<16xf32>
      %gather3A_350 = arith.constant 0 : i32
      %gather3A_351 = tpu.memref_slice %arg8[%gather3A_350] : memref<800xf32, #tpu.memory_space<vmem>> -> memref<8xf32, #tpu.memory_space<vmem>>
      %gather3A_352 = tpu.vector_load_idx %gather3A_351[%convert_element_type3A] : memref<8xf32, #tpu.memory_space<vmem>>[vector<16xi32>], vector<16xf32>,
      %mul3A_353 = arith.mulf %gather3A, %gather3A_352 : vector<16xf32>
      %gather3A_354 = arith.constant 80 : i32
      %gather3A_355 = tpu.memref_slice %arg8[%gather3A_354] : memref<800xf32, #tpu.memory_space<vmem>> -> memref<8xf32, #tpu.memory_space<vmem>>
      %gather3A_356 = tpu.vector_load_idx %gather3A_355[%convert_element_type3A] : memref<8xf32, #tpu.memory_space<vmem>>[vector<16xi32>], vector<16xf32>,
      %mul3A_357 = arith.mulf %gather3A_91, %gather3A_356 : vector<16xf32>
      %gather3A_358 = arith.constant 160 : i32
      %gather3A_359 = tpu.memref_slice %arg8[%gather3A_358] : memref<800xf32, #tpu.memory_space<vmem>> -> memref<8xf32, #tpu.memory_space<vmem>>
      %gather3A_360 = tpu.vector_load_idx %gather3A_359[%convert_element_type3A] : memref<8xf32, #tpu.memory_space<vmem>>[vector<16xi32>], vector<16xf32>,
      %mul3A_361 = arith.mulf %gather3A_96, %gather3A_360 : vector<16xf32>
      %add3A_362 = arith.addf %mul3A_353, %mul3A_361 : vector<16xf32>
      %gather3A_363 = arith.constant 240 : i32
      %gather3A_364 = tpu.memref_slice %arg8[%gather3A_363] : memref<800xf32, #tpu.memory_space<vmem>> -> memref<8xf32, #tpu.memory_space<vmem>>
      %gather3A_365 = tpu.vector_load_idx %gather3A_364[%convert_element_type3A] : memref<8xf32, #tpu.memory_space<vmem>>[vector<16xi32>], vector<16xf32>,
      %mul3A_366 = arith.mulf %gather3A_101, %gather3A_365 : vector<16xf32>
      %add3A_367 = arith.addf %mul3A_357, %mul3A_366 : vector<16xf32>
      %gather3A_368 = arith.constant 320 : i32
      %gather3A_369 = tpu.memref_slice %arg8[%gather3A_368] : memref<800xf32, #tpu.memory_space<vmem>> -> memref<8xf32, #tpu.memory_space<vmem>>
      %gather3A_370 = tpu.vector_load_idx %gather3A_369[%convert_element_type3A] : memref<8xf32, #tpu.memory_space<vmem>>[vector<16xi32>], vector<16xf32>,
      %mul3A_371 = arith.mulf %gather3A_106, %gather3A_370 : vector<16xf32>
      %add3A_372 = arith.addf %add3A_362, %mul3A_371 : vector<16xf32>
      %gather3A_373 = arith.constant 400 : i32
      %gather3A_374 = tpu.memref_slice %arg8[%gather3A_373] : memref<800xf32, #tpu.memory_space<vmem>> -> memref<8xf32, #tpu.memory_space<vmem>>
      %gather3A_375 = tpu.vector_load_idx %gather3A_374[%convert_element_type3A] : memref<8xf32, #tpu.memory_space<vmem>>[vector<16xi32>], vector<16xf32>,
      %mul3A_376 = arith.mulf %gather3A_111, %gather3A_375 : vector<16xf32>
      %add3A_377 = arith.addf %add3A_367, %mul3A_376 : vector<16xf32>
      %gather3A_378 = arith.constant 480 : i32
      %gather3A_379 = tpu.memref_slice %arg8[%gather3A_378] : memref<800xf32, #tpu.memory_space<vmem>> -> memref<8xf32, #tpu.memory_space<vmem>>
      %gather3A_380 = tpu.vector_load_idx %gather3A_379[%convert_element_type3A] : memref<8xf32, #tpu.memory_space<vmem>>[vector<16xi32>], vector<16xf32>,
      %mul3A_381 = arith.mulf %gather3A_116, %gather3A_380 : vector<16xf32>
      %add3A_382 = arith.addf %add3A_372, %mul3A_381 : vector<16xf32>
      %gather3A_383 = arith.constant 560 : i32
      %gather3A_384 = tpu.memref_slice %arg8[%gather3A_383] : memref<800xf32, #tpu.memory_space<vmem>> -> memref<8xf32, #tpu.memory_space<vmem>>
      %gather3A_385 = tpu.vector_load_idx %gather3A_384[%convert_element_type3A] : memref<8xf32, #tpu.memory_space<vmem>>[vector<16xi32>], vector<16xf32>,
      %mul3A_386 = arith.mulf %gather3A_121, %gather3A_385 : vector<16xf32>
      %add3A_387 = arith.addf %add3A_377, %mul3A_386 : vector<16xf32>
      %gather3A_388 = arith.constant 640 : i32
      %gather3A_389 = tpu.memref_slice %arg8[%gather3A_388] : memref<800xf32, #tpu.memory_space<vmem>> -> memref<8xf32, #tpu.memory_space<vmem>>
      %gather3A_390 = tpu.vector_load_idx %gather3A_389[%convert_element_type3A] : memref<8xf32, #tpu.memory_space<vmem>>[vector<16xi32>], vector<16xf32>,
      %mul3A_391 = arith.mulf %gather3A_126, %gather3A_390 : vector<16xf32>
      %add3A_392 = arith.addf %add3A_382, %mul3A_391 : vector<16xf32>
      %gather3A_393 = arith.constant 720 : i32
      %gather3A_394 = tpu.memref_slice %arg8[%gather3A_393] : memref<800xf32, #tpu.memory_space<vmem>> -> memref<8xf32, #tpu.memory_space<vmem>>
      %gather3A_395 = tpu.vector_load_idx %gather3A_394[%convert_element_type3A] : memref<8xf32, #tpu.memory_space<vmem>>[vector<16xi32>], vector<16xf32>,
      %mul3A_396 = arith.mulf %gather3A_131, %gather3A_395 : vector<16xf32>
      %add3A_397 = arith.addf %add3A_387, %mul3A_396 : vector<16xf32>
      %add3A_398 = arith.addf %add3A_392, %add3A_397 : vector<16xf32>
      %mul3A_399 = arith.mulf %div3A_349, %add3A_398 : vector<16xf32>
      %add3A_400 = vector.broadcast %squeeze3A_56 : f32 to vector<16xf32>
      %add3A_401 = arith.addf %add3A_400, %mul3A_399 : vector<16xf32>
      %add3A_402 = arith.constant 0 : i32
      %add3A_403 = arith.addi %mul3A_82, %add3A_402 : i32
      %add3A_404 = vector.broadcast %add3A_403 : i32 to vector<16xi32>
      %add3A_405 = arith.addi %mul3A_7, %add3A_404 : vector<16xi32>
      tpu.vector_store_idx %arg7[%add3A_405], %add3A_401 : memref<10240xf32, #tpu.memory_space<vmem>>[vector<16xi32>], vector<16xf32>,
      %gather3A_406 = arith.constant 8 : i32
      %gather3A_407 = tpu.memref_slice %arg8[%gather3A_406] : memref<800xf32, #tpu.memory_space<vmem>> -> memref<8xf32, #tpu.memory_space<vmem>>
      %gather3A_408 = tpu.vector_load_idx %gather3A_407[%convert_element_type3A] : memref<8xf32, #tpu.memory_space<vmem>>[vector<16xi32>], vector<16xf32>,
      %mul3A_409 = arith.mulf %gather3A, %gather3A_408 : vector<16xf32>
      %gather3A_410 = arith.constant 88 : i32
      %gather3A_411 = tpu.memref_slice %arg8[%gather3A_410] : memref<800xf32, #tpu.memory_space<vmem>> -> memref<8xf32, #tpu.memory_space<vmem>>
      %gather3A_412 = tpu.vector_load_idx %gather3A_411[%convert_element_type3A] : memref<8xf32, #tpu.memory_space<vmem>>[vector<16xi32>], vector<16xf32>,
      %mul3A_413 = arith.mulf %gather3A_91, %gather3A_412 : vector<16xf32>
      %gather3A_414 = arith.constant 168 : i32
      %gather3A_415 = tpu.memref_slice %arg8[%gather3A_414] : memref<800xf32, #tpu.memory_space<vmem>> -> memref<8xf32, #tpu.memory_space<vmem>>
      %gather3A_416 = tpu.vector_load_idx %gather3A_415[%convert_element_type3A] : memref<8xf32, #tpu.memory_space<vmem>>[vector<16xi32>], vector<16xf32>,
      %mul3A_417 = arith.mulf %gather3A_96, %gather3A_416 : vector<16xf32>
      %add3A_418 = arith.addf %mul3A_409, %mul3A_417 : vector<16xf32>
      %gather3A_419 = arith.constant 248 : i32
      %gather3A_420 = tpu.memref_slice %arg8[%gather3A_419] : memref<800xf32, #tpu.memory_space<vmem>> -> memref<8xf32, #tpu.memory_space<vmem>>
      %gather3A_421 = tpu.vector_load_idx %gather3A_420[%convert_element_type3A] : memref<8xf32, #tpu.memory_space<vmem>>[vector<16xi32>], vector<16xf32>,
      %mul3A_422 = arith.mulf %gather3A_101, %gather3A_421 : vector<16xf32>
      %add3A_423 = arith.addf %mul3A_413, %mul3A_422 : vector<16xf32>
      %gather3A_424 = arith.constant 328 : i32
      %gather3A_425 = tpu.memref_slice %arg8[%gather3A_424] : memref<800xf32, #tpu.memory_space<vmem>> -> memref<8xf32, #tpu.memory_space<vmem>>
      %gather3A_426 = tpu.vector_load_idx %gather3A_425[%convert_element_type3A] : memref<8xf32, #tpu.memory_space<vmem>>[vector<16xi32>], vector<16xf32>,
      %mul3A_427 = arith.mulf %gather3A_106, %gather3A_426 : vector<16xf32>
      %add3A_428 = arith.addf %add3A_418, %mul3A_427 : vector<16xf32>
      %gather3A_429 = arith.constant 408 : i32
      %gather3A_430 = tpu.memref_slice %arg8[%gather3A_429] : memref<800xf32, #tpu.memory_space<vmem>> -> memref<8xf32, #tpu.memory_space<vmem>>
      %gather3A_431 = tpu.vector_load_idx %gather3A_430[%convert_element_type3A] : memref<8xf32, #tpu.memory_space<vmem>>[vector<16xi32>], vector<16xf32>,
      %mul3A_432 = arith.mulf %gather3A_111, %gather3A_431 : vector<16xf32>
      %add3A_433 = arith.addf %add3A_423, %mul3A_432 : vector<16xf32>
      %gather3A_434 = arith.constant 488 : i32
      %gather3A_435 = tpu.memref_slice %arg8[%gather3A_434] : memref<800xf32, #tpu.memory_space<vmem>> -> memref<8xf32, #tpu.memory_space<vmem>>
      %gather3A_436 = tpu.vector_load_idx %gather3A_435[%convert_element_type3A] : memref<8xf32, #tpu.memory_space<vmem>>[vector<16xi32>], vector<16xf32>,
      %mul3A_437 = arith.mulf %gather3A_116, %gather3A_436 : vector<16xf32>
      %add3A_438 = arith.addf %add3A_428, %mul3A_437 : vector<16xf32>
      %gather3A_439 = arith.constant 568 : i32
      %gather3A_440 = tpu.memref_slice %arg8[%gather3A_439] : memref<800xf32, #tpu.memory_space<vmem>> -> memref<8xf32, #tpu.memory_space<vmem>>
      %gather3A_441 = tpu.vector_load_idx %gather3A_440[%convert_element_type3A] : memref<8xf32, #tpu.memory_space<vmem>>[vector<16xi32>], vector<16xf32>,
      %mul3A_442 = arith.mulf %gather3A_121, %gather3A_441 : vector<16xf32>
      %add3A_443 = arith.addf %add3A_433, %mul3A_442 : vector<16xf32>
      %gather3A_444 = arith.constant 648 : i32
      %gather3A_445 = tpu.memref_slice %arg8[%gather3A_444] : memref<800xf32, #tpu.memory_space<vmem>> -> memref<8xf32, #tpu.memory_space<vmem>>
      %gather3A_446 = tpu.vector_load_idx %gather3A_445[%convert_element_type3A] : memref<8xf32, #tpu.memory_space<vmem>>[vector<16xi32>], vector<16xf32>,
      %mul3A_447 = arith.mulf %gather3A_126, %gather3A_446 : vector<16xf32>
      %add3A_448 = arith.addf %add3A_438, %mul3A_447 : vector<16xf32>
      %gather3A_449 = arith.constant 728 : i32
      %gather3A_450 = tpu.memref_slice %arg8[%gather3A_449] : memref<800xf32, #tpu.memory_space<vmem>> -> memref<8xf32, #tpu.memory_space<vmem>>
      %gather3A_451 = tpu.vector_load_idx %gather3A_450[%convert_element_type3A] : memref<8xf32, #tpu.memory_space<vmem>>[vector<16xi32>], vector<16xf32>,
      %mul3A_452 = arith.mulf %gather3A_131, %gather3A_451 : vector<16xf32>
      %add3A_453 = arith.addf %add3A_443, %mul3A_452 : vector<16xf32>
      %add3A_454 = arith.addf %add3A_448, %add3A_453 : vector<16xf32>
      %mul3A_455 = arith.mulf %div3A_349, %add3A_454 : vector<16xf32>
      %add3A_456 = vector.broadcast %squeeze3A_58 : f32 to vector<16xf32>
      %add3A_457 = arith.addf %add3A_456, %mul3A_455 : vector<16xf32>
      %add3A_458 = arith.constant 1 : i32
      %add3A_459 = arith.addi %mul3A_82, %add3A_458 : i32
      %add3A_460 = vector.broadcast %add3A_459 : i32 to vector<16xi32>
      %add3A_461 = arith.addi %mul3A_7, %add3A_460 : vector<16xi32>
      tpu.vector_store_idx %arg7[%add3A_461], %add3A_457 : memref<10240xf32, #tpu.memory_space<vmem>>[vector<16xi32>], vector<16xf32>,
      %gather3A_462 = arith.constant 16 : i32
      %gather3A_463 = tpu.memref_slice %arg8[%gather3A_462] : memref<800xf32, #tpu.memory_space<vmem>> -> memref<8xf32, #tpu.memory_space<vmem>>
      %gather3A_464 = tpu.vector_load_idx %gather3A_463[%convert_element_type3A] : memref<8xf32, #tpu.memory_space<vmem>>[vector<16xi32>], vector<16xf32>,
      %mul3A_465 = arith.mulf %gather3A, %gather3A_464 : vector<16xf32>
      %gather3A_466 = arith.constant 96 : i32
      %gather3A_467 = tpu.memref_slice %arg8[%gather3A_466] : memref<800xf32, #tpu.memory_space<vmem>> -> memref<8xf32, #tpu.memory_space<vmem>>
      %gather3A_468 = tpu.vector_load_idx %gather3A_467[%convert_element_type3A] : memref<8xf32, #tpu.memory_space<vmem>>[vector<16xi32>], vector<16xf32>,
      %mul3A_469 = arith.mulf %gather3A_91, %gather3A_468 : vector<16xf32>
      %gather3A_470 = arith.constant 176 : i32
      %gather3A_471 = tpu.memref_slice %arg8[%gather3A_470] : memref<800xf32, #tpu.memory_space<vmem>> -> memref<8xf32, #tpu.memory_space<vmem>>
      %gather3A_472 = tpu.vector_load_idx %gather3A_471[%convert_element_type3A] : memref<8xf32, #tpu.memory_space<vmem>>[vector<16xi32>], vector<16xf32>,
      %mul3A_473 = arith.mulf %gather3A_96, %gather3A_472 : vector<16xf32>
      %add3A_474 = arith.addf %mul3A_465, %mul3A_473 : vector<16xf32>
      %gather3A_475 = arith.constant 256 : i32
      %gather3A_476 = tpu.memref_slice %arg8[%gather3A_475] : memref<800xf32, #tpu.memory_space<vmem>> -> memref<8xf32, #tpu.memory_space<vmem>>
      %gather3A_477 = tpu.vector_load_idx %gather3A_476[%convert_element_type3A] : memref<8xf32, #tpu.memory_space<vmem>>[vector<16xi32>], vector<16xf32>,
      %mul3A_478 = arith.mulf %gather3A_101, %gather3A_477 : vector<16xf32>
      %add3A_479 = arith.addf %mul3A_469, %mul3A_478 : vector<16xf32>
      %gather3A_480 = arith.constant 336 : i32
      %gather3A_481 = tpu.memref_slice %arg8[%gather3A_480] : memref<800xf32, #tpu.memory_space<vmem>> -> memref<8xf32, #tpu.memory_space<vmem>>
      %gather3A_482 = tpu.vector_load_idx %gather3A_481[%convert_element_type3A] : memref<8xf32, #tpu.memory_space<vmem>>[vector<16xi32>], vector<16xf32>,
      %mul3A_483 = arith.mulf %gather3A_106, %gather3A_482 : vector<16xf32>
      %add3A_484 = arith.addf %add3A_474, %mul3A_483 : vector<16xf32>
      %gather3A_485 = arith.constant 416 : i32
      %gather3A_486 = tpu.memref_slice %arg8[%gather3A_485] : memref<800xf32, #tpu.memory_space<vmem>> -> memref<8xf32, #tpu.memory_space<vmem>>
      %gather3A_487 = tpu.vector_load_idx %gather3A_486[%convert_element_type3A] : memref<8xf32, #tpu.memory_space<vmem>>[vector<16xi32>], vector<16xf32>,
      %mul3A_488 = arith.mulf %gather3A_111, %gather3A_487 : vector<16xf32>
      %add3A_489 = arith.addf %add3A_479, %mul3A_488 : vector<16xf32>
      %gather3A_490 = arith.constant 496 : i32
      %gather3A_491 = tpu.memref_slice %arg8[%gather3A_490] : memref<800xf32, #tpu.memory_space<vmem>> -> memref<8xf32, #tpu.memory_space<vmem>>
      %gather3A_492 = tpu.vector_load_idx %gather3A_491[%convert_element_type3A] : memref<8xf32, #tpu.memory_space<vmem>>[vector<16xi32>], vector<16xf32>,
      %mul3A_493 = arith.mulf %gather3A_116, %gather3A_492 : vector<16xf32>
      %add3A_494 = arith.addf %add3A_484, %mul3A_493 : vector<16xf32>
      %gather3A_495 = arith.constant 576 : i32
      %gather3A_496 = tpu.memref_slice %arg8[%gather3A_495] : memref<800xf32, #tpu.memory_space<vmem>> -> memref<8xf32, #tpu.memory_space<vmem>>
      %gather3A_497 = tpu.vector_load_idx %gather3A_496[%convert_element_type3A] : memref<8xf32, #tpu.memory_space<vmem>>[vector<16xi32>], vector<16xf32>,
      %mul3A_498 = arith.mulf %gather3A_121, %gather3A_497 : vector<16xf32>
      %add3A_499 = arith.addf %add3A_489, %mul3A_498 : vector<16xf32>
      %gather3A_500 = arith.constant 656 : i32
      %gather3A_501 = tpu.memref_slice %arg8[%gather3A_500] : memref<800xf32, #tpu.memory_space<vmem>> -> memref<8xf32, #tpu.memory_space<vmem>>
      %gather3A_502 = tpu.vector_load_idx %gather3A_501[%convert_element_type3A] : memref<8xf32, #tpu.memory_space<vmem>>[vector<16xi32>], vector<16xf32>,
      %mul3A_503 = arith.mulf %gather3A_126, %gather3A_502 : vector<16xf32>
      %add3A_504 = arith.addf %add3A_494, %mul3A_503 : vector<16xf32>
      %gather3A_505 = arith.constant 736 : i32
      %gather3A_506 = tpu.memref_slice %arg8[%gather3A_505] : memref<800xf32, #tpu.memory_space<vmem>> -> memref<8xf32, #tpu.memory_space<vmem>>
      %gather3A_507 = tpu.vector_load_idx %gather3A_506[%convert_element_type3A] : memref<8xf32, #tpu.memory_space<vmem>>[vector<16xi32>], vector<16xf32>,
      %mul3A_508 = arith.mulf %gather3A_131, %gather3A_507 : vector<16xf32>
      %add3A_509 = arith.addf %add3A_499, %mul3A_508 : vector<16xf32>
      %add3A_510 = arith.addf %add3A_504, %add3A_509 : vector<16xf32>
      %mul3A_511 = arith.mulf %div3A_349, %add3A_510 : vector<16xf32>
      %add3A_512 = vector.broadcast %squeeze3A_60 : f32 to vector<16xf32>
      %add3A_513 = arith.addf %add3A_512, %mul3A_511 : vector<16xf32>
      %add3A_514 = arith.constant 2 : i32
      %add3A_515 = arith.addi %mul3A_82, %add3A_514 : i32
      %add3A_516 = vector.broadcast %add3A_515 : i32 to vector<16xi32>
      %add3A_517 = arith.addi %mul3A_7, %add3A_516 : vector<16xi32>
      tpu.vector_store_idx %arg7[%add3A_517], %add3A_513 : memref<10240xf32, #tpu.memory_space<vmem>>[vector<16xi32>], vector<16xf32>,
      %gather3A_518 = arith.constant 24 : i32
      %gather3A_519 = tpu.memref_slice %arg8[%gather3A_518] : memref<800xf32, #tpu.memory_space<vmem>> -> memref<8xf32, #tpu.memory_space<vmem>>
      %gather3A_520 = tpu.vector_load_idx %gather3A_519[%convert_element_type3A] : memref<8xf32, #tpu.memory_space<vmem>>[vector<16xi32>], vector<16xf32>,
      %mul3A_521 = arith.mulf %gather3A, %gather3A_520 : vector<16xf32>
      %gather3A_522 = arith.constant 104 : i32
      %gather3A_523 = tpu.memref_slice %arg8[%gather3A_522] : memref<800xf32, #tpu.memory_space<vmem>> -> memref<8xf32, #tpu.memory_space<vmem>>
      %gather3A_524 = tpu.vector_load_idx %gather3A_523[%convert_element_type3A] : memref<8xf32, #tpu.memory_space<vmem>>[vector<16xi32>], vector<16xf32>,
      %mul3A_525 = arith.mulf %gather3A_91, %gather3A_524 : vector<16xf32>
      %gather3A_526 = arith.constant 184 : i32
      %gather3A_527 = tpu.memref_slice %arg8[%gather3A_526] : memref<800xf32, #tpu.memory_space<vmem>> -> memref<8xf32, #tpu.memory_space<vmem>>
      %gather3A_528 = tpu.vector_load_idx %gather3A_527[%convert_element_type3A] : memref<8xf32, #tpu.memory_space<vmem>>[vector<16xi32>], vector<16xf32>,
      %mul3A_529 = arith.mulf %gather3A_96, %gather3A_528 : vector<16xf32>
      %add3A_530 = arith.addf %mul3A_521, %mul3A_529 : vector<16xf32>
      %gather3A_531 = arith.constant 264 : i32
      %gather3A_532 = tpu.memref_slice %arg8[%gather3A_531] : memref<800xf32, #tpu.memory_space<vmem>> -> memref<8xf32, #tpu.memory_space<vmem>>
      %gather3A_533 = tpu.vector_load_idx %gather3A_532[%convert_element_type3A] : memref<8xf32, #tpu.memory_space<vmem>>[vector<16xi32>], vector<16xf32>,
      %mul3A_534 = arith.mulf %gather3A_101, %gather3A_533 : vector<16xf32>
      %add3A_535 = arith.addf %mul3A_525, %mul3A_534 : vector<16xf32>
      %gather3A_536 = arith.constant 344 : i32
      %gather3A_537 = tpu.memref_slice %arg8[%gather3A_536] : memref<800xf32, #tpu.memory_space<vmem>> -> memref<8xf32, #tpu.memory_space<vmem>>
      %gather3A_538 = tpu.vector_load_idx %gather3A_537[%convert_element_type3A] : memref<8xf32, #tpu.memory_space<vmem>>[vector<16xi32>], vector<16xf32>,
      %mul3A_539 = arith.mulf %gather3A_106, %gather3A_538 : vector<16xf32>
      %add3A_540 = arith.addf %add3A_530, %mul3A_539 : vector<16xf32>
      %gather3A_541 = arith.constant 424 : i32
      %gather3A_542 = tpu.memref_slice %arg8[%gather3A_541] : memref<800xf32, #tpu.memory_space<vmem>> -> memref<8xf32, #tpu.memory_space<vmem>>
      %gather3A_543 = tpu.vector_load_idx %gather3A_542[%convert_element_type3A] : memref<8xf32, #tpu.memory_space<vmem>>[vector<16xi32>], vector<16xf32>,
      %mul3A_544 = arith.mulf %gather3A_111, %gather3A_543 : vector<16xf32>
      %add3A_545 = arith.addf %add3A_535, %mul3A_544 : vector<16xf32>
      %gather3A_546 = arith.constant 504 : i32
      %gather3A_547 = tpu.memref_slice %arg8[%gather3A_546] : memref<800xf32, #tpu.memory_space<vmem>> -> memref<8xf32, #tpu.memory_space<vmem>>
      %gather3A_548 = tpu.vector_load_idx %gather3A_547[%convert_element_type3A] : memref<8xf32, #tpu.memory_space<vmem>>[vector<16xi32>], vector<16xf32>,
      %mul3A_549 = arith.mulf %gather3A_116, %gather3A_548 : vector<16xf32>
      %add3A_550 = arith.addf %add3A_540, %mul3A_549 : vector<16xf32>
      %gather3A_551 = arith.constant 584 : i32
      %gather3A_552 = tpu.memref_slice %arg8[%gather3A_551] : memref<800xf32, #tpu.memory_space<vmem>> -> memref<8xf32, #tpu.memory_space<vmem>>
      %gather3A_553 = tpu.vector_load_idx %gather3A_552[%convert_element_type3A] : memref<8xf32, #tpu.memory_space<vmem>>[vector<16xi32>], vector<16xf32>,
      %mul3A_554 = arith.mulf %gather3A_121, %gather3A_553 : vector<16xf32>
      %add3A_555 = arith.addf %add3A_545, %mul3A_554 : vector<16xf32>
      %gather3A_556 = arith.constant 664 : i32
      %gather3A_557 = tpu.memref_slice %arg8[%gather3A_556] : memref<800xf32, #tpu.memory_space<vmem>> -> memref<8xf32, #tpu.memory_space<vmem>>
      %gather3A_558 = tpu.vector_load_idx %gather3A_557[%convert_element_type3A] : memref<8xf32, #tpu.memory_space<vmem>>[vector<16xi32>], vector<16xf32>,
      %mul3A_559 = arith.mulf %gather3A_126, %gather3A_558 : vector<16xf32>
      %add3A_560 = arith.addf %add3A_550, %mul3A_559 : vector<16xf32>
      %gather3A_561 = arith.constant 744 : i32
      %gather3A_562 = tpu.memref_slice %arg8[%gather3A_561] : memref<800xf32, #tpu.memory_space<vmem>> -> memref<8xf32, #tpu.memory_space<vmem>>
      %gather3A_563 = tpu.vector_load_idx %gather3A_562[%convert_element_type3A] : memref<8xf32, #tpu.memory_space<vmem>>[vector<16xi32>], vector<16xf32>,
      %mul3A_564 = arith.mulf %gather3A_131, %gather3A_563 : vector<16xf32>
      %add3A_565 = arith.addf %add3A_555, %mul3A_564 : vector<16xf32>
      %add3A_566 = arith.addf %add3A_560, %add3A_565 : vector<16xf32>
      %mul3A_567 = arith.mulf %div3A_349, %add3A_566 : vector<16xf32>
      %add3A_568 = vector.broadcast %squeeze3A_62 : f32 to vector<16xf32>
      %add3A_569 = arith.addf %add3A_568, %mul3A_567 : vector<16xf32>
      %add3A_570 = arith.constant 3 : i32
      %add3A_571 = arith.addi %mul3A_82, %add3A_570 : i32
      %add3A_572 = vector.broadcast %add3A_571 : i32 to vector<16xi32>
      %add3A_573 = arith.addi %mul3A_7, %add3A_572 : vector<16xi32>
      tpu.vector_store_idx %arg7[%add3A_573], %add3A_569 : memref<10240xf32, #tpu.memory_space<vmem>>[vector<16xi32>], vector<16xf32>,
      %gather3A_574 = arith.constant 32 : i32
      %gather3A_575 = tpu.memref_slice %arg8[%gather3A_574] : memref<800xf32, #tpu.memory_space<vmem>> -> memref<8xf32, #tpu.memory_space<vmem>>
      %gather3A_576 = tpu.vector_load_idx %gather3A_575[%convert_element_type3A] : memref<8xf32, #tpu.memory_space<vmem>>[vector<16xi32>], vector<16xf32>,
      %mul3A_577 = arith.mulf %gather3A, %gather3A_576 : vector<16xf32>
      %gather3A_578 = arith.constant 112 : i32
      %gather3A_579 = tpu.memref_slice %arg8[%gather3A_578] : memref<800xf32, #tpu.memory_space<vmem>> -> memref<8xf32, #tpu.memory_space<vmem>>
      %gather3A_580 = tpu.vector_load_idx %gather3A_579[%convert_element_type3A] : memref<8xf32, #tpu.memory_space<vmem>>[vector<16xi32>], vector<16xf32>,
      %mul3A_581 = arith.mulf %gather3A_91, %gather3A_580 : vector<16xf32>
      %gather3A_582 = arith.constant 192 : i32
      %gather3A_583 = tpu.memref_slice %arg8[%gather3A_582] : memref<800xf32, #tpu.memory_space<vmem>> -> memref<8xf32, #tpu.memory_space<vmem>>
      %gather3A_584 = tpu.vector_load_idx %gather3A_583[%convert_element_type3A] : memref<8xf32, #tpu.memory_space<vmem>>[vector<16xi32>], vector<16xf32>,
      %mul3A_585 = arith.mulf %gather3A_96, %gather3A_584 : vector<16xf32>
      %add3A_586 = arith.addf %mul3A_577, %mul3A_585 : vector<16xf32>
      %gather3A_587 = arith.constant 272 : i32
      %gather3A_588 = tpu.memref_slice %arg8[%gather3A_587] : memref<800xf32, #tpu.memory_space<vmem>> -> memref<8xf32, #tpu.memory_space<vmem>>
      %gather3A_589 = tpu.vector_load_idx %gather3A_588[%convert_element_type3A] : memref<8xf32, #tpu.memory_space<vmem>>[vector<16xi32>], vector<16xf32>,
      %mul3A_590 = arith.mulf %gather3A_101, %gather3A_589 : vector<16xf32>
      %add3A_591 = arith.addf %mul3A_581, %mul3A_590 : vector<16xf32>
      %gather3A_592 = arith.constant 352 : i32
      %gather3A_593 = tpu.memref_slice %arg8[%gather3A_592] : memref<800xf32, #tpu.memory_space<vmem>> -> memref<8xf32, #tpu.memory_space<vmem>>
      %gather3A_594 = tpu.vector_load_idx %gather3A_593[%convert_element_type3A] : memref<8xf32, #tpu.memory_space<vmem>>[vector<16xi32>], vector<16xf32>,
      %mul3A_595 = arith.mulf %gather3A_106, %gather3A_594 : vector<16xf32>
      %add3A_596 = arith.addf %add3A_586, %mul3A_595 : vector<16xf32>
      %gather3A_597 = arith.constant 432 : i32
      %gather3A_598 = tpu.memref_slice %arg8[%gather3A_597] : memref<800xf32, #tpu.memory_space<vmem>> -> memref<8xf32, #tpu.memory_space<vmem>>
      %gather3A_599 = tpu.vector_load_idx %gather3A_598[%convert_element_type3A] : memref<8xf32, #tpu.memory_space<vmem>>[vector<16xi32>], vector<16xf32>,
      %mul3A_600 = arith.mulf %gather3A_111, %gather3A_599 : vector<16xf32>
      %add3A_601 = arith.addf %add3A_591, %mul3A_600 : vector<16xf32>
      %gather3A_602 = arith.constant 512 : i32
      %gather3A_603 = tpu.memref_slice %arg8[%gather3A_602] : memref<800xf32, #tpu.memory_space<vmem>> -> memref<8xf32, #tpu.memory_space<vmem>>
      %gather3A_604 = tpu.vector_load_idx %gather3A_603[%convert_element_type3A] : memref<8xf32, #tpu.memory_space<vmem>>[vector<16xi32>], vector<16xf32>,
      %mul3A_605 = arith.mulf %gather3A_116, %gather3A_604 : vector<16xf32>
      %add3A_606 = arith.addf %add3A_596, %mul3A_605 : vector<16xf32>
      %gather3A_607 = arith.constant 592 : i32
      %gather3A_608 = tpu.memref_slice %arg8[%gather3A_607] : memref<800xf32, #tpu.memory_space<vmem>> -> memref<8xf32, #tpu.memory_space<vmem>>
      %gather3A_609 = tpu.vector_load_idx %gather3A_608[%convert_element_type3A] : memref<8xf32, #tpu.memory_space<vmem>>[vector<16xi32>], vector<16xf32>,
      %mul3A_610 = arith.mulf %gather3A_121, %gather3A_609 : vector<16xf32>
      %add3A_611 = arith.addf %add3A_601, %mul3A_610 : vector<16xf32>
      %gather3A_612 = arith.constant 672 : i32
      %gather3A_613 = tpu.memref_slice %arg8[%gather3A_612] : memref<800xf32, #tpu.memory_space<vmem>> -> memref<8xf32, #tpu.memory_space<vmem>>
      %gather3A_614 = tpu.vector_load_idx %gather3A_613[%convert_element_type3A] : memref<8xf32, #tpu.memory_space<vmem>>[vector<16xi32>], vector<16xf32>,
      %mul3A_615 = arith.mulf %gather3A_126, %gather3A_614 : vector<16xf32>
      %add3A_616 = arith.addf %add3A_606, %mul3A_615 : vector<16xf32>
      %gather3A_617 = arith.constant 752 : i32
      %gather3A_618 = tpu.memref_slice %arg8[%gather3A_617] : memref<800xf32, #tpu.memory_space<vmem>> -> memref<8xf32, #tpu.memory_space<vmem>>
      %gather3A_619 = tpu.vector_load_idx %gather3A_618[%convert_element_type3A] : memref<8xf32, #tpu.memory_space<vmem>>[vector<16xi32>], vector<16xf32>,
      %mul3A_620 = arith.mulf %gather3A_131, %gather3A_619 : vector<16xf32>
      %add3A_621 = arith.addf %add3A_611, %mul3A_620 : vector<16xf32>
      %add3A_622 = arith.addf %add3A_616, %add3A_621 : vector<16xf32>
      %mul3A_623 = arith.mulf %div3A_349, %add3A_622 : vector<16xf32>
      %add3A_624 = vector.broadcast %squeeze3A_64 : f32 to vector<16xf32>
      %add3A_625 = arith.addf %add3A_624, %mul3A_623 : vector<16xf32>
      %add3A_626 = arith.constant 4 : i32
      %add3A_627 = arith.addi %mul3A_82, %add3A_626 : i32
      %add3A_628 = vector.broadcast %add3A_627 : i32 to vector<16xi32>
      %add3A_629 = arith.addi %mul3A_7, %add3A_628 : vector<16xi32>
      tpu.vector_store_idx %arg7[%add3A_629], %add3A_625 : memref<10240xf32, #tpu.memory_space<vmem>>[vector<16xi32>], vector<16xf32>,
      %gather3A_630 = arith.constant 40 : i32
      %gather3A_631 = tpu.memref_slice %arg8[%gather3A_630] : memref<800xf32, #tpu.memory_space<vmem>> -> memref<8xf32, #tpu.memory_space<vmem>>
      %gather3A_632 = tpu.vector_load_idx %gather3A_631[%convert_element_type3A] : memref<8xf32, #tpu.memory_space<vmem>>[vector<16xi32>], vector<16xf32>,
      %mul3A_633 = arith.mulf %gather3A, %gather3A_632 : vector<16xf32>
      %gather3A_634 = arith.constant 120 : i32
      %gather3A_635 = tpu.memref_slice %arg8[%gather3A_634] : memref<800xf32, #tpu.memory_space<vmem>> -> memref<8xf32, #tpu.memory_space<vmem>>
      %gather3A_636 = tpu.vector_load_idx %gather3A_635[%convert_element_type3A] : memref<8xf32, #tpu.memory_space<vmem>>[vector<16xi32>], vector<16xf32>,
      %mul3A_637 = arith.mulf %gather3A_91, %gather3A_636 : vector<16xf32>
      %gather3A_638 = arith.constant 200 : i32
      %gather3A_639 = tpu.memref_slice %arg8[%gather3A_638] : memref<800xf32, #tpu.memory_space<vmem>> -> memref<8xf32, #tpu.memory_space<vmem>>
      %gather3A_640 = tpu.vector_load_idx %gather3A_639[%convert_element_type3A] : memref<8xf32, #tpu.memory_space<vmem>>[vector<16xi32>], vector<16xf32>,
      %mul3A_641 = arith.mulf %gather3A_96, %gather3A_640 : vector<16xf32>
      %add3A_642 = arith.addf %mul3A_633, %mul3A_641 : vector<16xf32>
      %gather3A_643 = arith.constant 280 : i32
      %gather3A_644 = tpu.memref_slice %arg8[%gather3A_643] : memref<800xf32, #tpu.memory_space<vmem>> -> memref<8xf32, #tpu.memory_space<vmem>>
      %gather3A_645 = tpu.vector_load_idx %gather3A_644[%convert_element_type3A] : memref<8xf32, #tpu.memory_space<vmem>>[vector<16xi32>], vector<16xf32>,
      %mul3A_646 = arith.mulf %gather3A_101, %gather3A_645 : vector<16xf32>
      %add3A_647 = arith.addf %mul3A_637, %mul3A_646 : vector<16xf32>
      %gather3A_648 = arith.constant 360 : i32
      %gather3A_649 = tpu.memref_slice %arg8[%gather3A_648] : memref<800xf32, #tpu.memory_space<vmem>> -> memref<8xf32, #tpu.memory_space<vmem>>
      %gather3A_650 = tpu.vector_load_idx %gather3A_649[%convert_element_type3A] : memref<8xf32, #tpu.memory_space<vmem>>[vector<16xi32>], vector<16xf32>,
      %mul3A_651 = arith.mulf %gather3A_106, %gather3A_650 : vector<16xf32>
      %add3A_652 = arith.addf %add3A_642, %mul3A_651 : vector<16xf32>
      %gather3A_653 = arith.constant 440 : i32
      %gather3A_654 = tpu.memref_slice %arg8[%gather3A_653] : memref<800xf32, #tpu.memory_space<vmem>> -> memref<8xf32, #tpu.memory_space<vmem>>
      %gather3A_655 = tpu.vector_load_idx %gather3A_654[%convert_element_type3A] : memref<8xf32, #tpu.memory_space<vmem>>[vector<16xi32>], vector<16xf32>,
      %mul3A_656 = arith.mulf %gather3A_111, %gather3A_655 : vector<16xf32>
      %add3A_657 = arith.addf %add3A_647, %mul3A_656 : vector<16xf32>
      %gather3A_658 = arith.constant 520 : i32
      %gather3A_659 = tpu.memref_slice %arg8[%gather3A_658] : memref<800xf32, #tpu.memory_space<vmem>> -> memref<8xf32, #tpu.memory_space<vmem>>
      %gather3A_660 = tpu.vector_load_idx %gather3A_659[%convert_element_type3A] : memref<8xf32, #tpu.memory_space<vmem>>[vector<16xi32>], vector<16xf32>,
      %mul3A_661 = arith.mulf %gather3A_116, %gather3A_660 : vector<16xf32>
      %add3A_662 = arith.addf %add3A_652, %mul3A_661 : vector<16xf32>
      %gather3A_663 = arith.constant 600 : i32
      %gather3A_664 = tpu.memref_slice %arg8[%gather3A_663] : memref<800xf32, #tpu.memory_space<vmem>> -> memref<8xf32, #tpu.memory_space<vmem>>
      %gather3A_665 = tpu.vector_load_idx %gather3A_664[%convert_element_type3A] : memref<8xf32, #tpu.memory_space<vmem>>[vector<16xi32>], vector<16xf32>,
      %mul3A_666 = arith.mulf %gather3A_121, %gather3A_665 : vector<16xf32>
      %add3A_667 = arith.addf %add3A_657, %mul3A_666 : vector<16xf32>
      %gather3A_668 = arith.constant 680 : i32
      %gather3A_669 = tpu.memref_slice %arg8[%gather3A_668] : memref<800xf32, #tpu.memory_space<vmem>> -> memref<8xf32, #tpu.memory_space<vmem>>
      %gather3A_670 = tpu.vector_load_idx %gather3A_669[%convert_element_type3A] : memref<8xf32, #tpu.memory_space<vmem>>[vector<16xi32>], vector<16xf32>,
      %mul3A_671 = arith.mulf %gather3A_126, %gather3A_670 : vector<16xf32>
      %add3A_672 = arith.addf %add3A_662, %mul3A_671 : vector<16xf32>
      %gather3A_673 = arith.constant 760 : i32
      %gather3A_674 = tpu.memref_slice %arg8[%gather3A_673] : memref<800xf32, #tpu.memory_space<vmem>> -> memref<8xf32, #tpu.memory_space<vmem>>
      %gather3A_675 = tpu.vector_load_idx %gather3A_674[%convert_element_type3A] : memref<8xf32, #tpu.memory_space<vmem>>[vector<16xi32>], vector<16xf32>,
      %mul3A_676 = arith.mulf %gather3A_131, %gather3A_675 : vector<16xf32>
      %add3A_677 = arith.addf %add3A_667, %mul3A_676 : vector<16xf32>
      %add3A_678 = arith.addf %add3A_672, %add3A_677 : vector<16xf32>
      %mul3A_679 = arith.mulf %div3A_349, %add3A_678 : vector<16xf32>
      %add3A_680 = vector.broadcast %squeeze3A_66 : f32 to vector<16xf32>
      %add3A_681 = arith.addf %add3A_680, %mul3A_679 : vector<16xf32>
      %add3A_682 = arith.constant 5 : i32
      %add3A_683 = arith.addi %mul3A_82, %add3A_682 : i32
      %add3A_684 = vector.broadcast %add3A_683 : i32 to vector<16xi32>
      %add3A_685 = arith.addi %mul3A_7, %add3A_684 : vector<16xi32>
      tpu.vector_store_idx %arg7[%add3A_685], %add3A_681 : memref<10240xf32, #tpu.memory_space<vmem>>[vector<16xi32>], vector<16xf32>,
      %gather3A_686 = arith.constant 48 : i32
      %gather3A_687 = tpu.memref_slice %arg8[%gather3A_686] : memref<800xf32, #tpu.memory_space<vmem>> -> memref<8xf32, #tpu.memory_space<vmem>>
      %gather3A_688 = tpu.vector_load_idx %gather3A_687[%convert_element_type3A] : memref<8xf32, #tpu.memory_space<vmem>>[vector<16xi32>], vector<16xf32>,
      %mul3A_689 = arith.mulf %gather3A, %gather3A_688 : vector<16xf32>
      %gather3A_690 = arith.constant 128 : i32
      %gather3A_691 = tpu.memref_slice %arg8[%gather3A_690] : memref<800xf32, #tpu.memory_space<vmem>> -> memref<8xf32, #tpu.memory_space<vmem>>
      %gather3A_692 = tpu.vector_load_idx %gather3A_691[%convert_element_type3A] : memref<8xf32, #tpu.memory_space<vmem>>[vector<16xi32>], vector<16xf32>,
      %mul3A_693 = arith.mulf %gather3A_91, %gather3A_692 : vector<16xf32>
      %gather3A_694 = arith.constant 208 : i32
      %gather3A_695 = tpu.memref_slice %arg8[%gather3A_694] : memref<800xf32, #tpu.memory_space<vmem>> -> memref<8xf32, #tpu.memory_space<vmem>>
      %gather3A_696 = tpu.vector_load_idx %gather3A_695[%convert_element_type3A] : memref<8xf32, #tpu.memory_space<vmem>>[vector<16xi32>], vector<16xf32>,
      %mul3A_697 = arith.mulf %gather3A_96, %gather3A_696 : vector<16xf32>
      %add3A_698 = arith.addf %mul3A_689, %mul3A_697 : vector<16xf32>
      %gather3A_699 = arith.constant 288 : i32
      %gather3A_700 = tpu.memref_slice %arg8[%gather3A_699] : memref<800xf32, #tpu.memory_space<vmem>> -> memref<8xf32, #tpu.memory_space<vmem>>
      %gather3A_701 = tpu.vector_load_idx %gather3A_700[%convert_element_type3A] : memref<8xf32, #tpu.memory_space<vmem>>[vector<16xi32>], vector<16xf32>,
      %mul3A_702 = arith.mulf %gather3A_101, %gather3A_701 : vector<16xf32>
      %add3A_703 = arith.addf %mul3A_693, %mul3A_702 : vector<16xf32>
      %gather3A_704 = arith.constant 368 : i32
      %gather3A_705 = tpu.memref_slice %arg8[%gather3A_704] : memref<800xf32, #tpu.memory_space<vmem>> -> memref<8xf32, #tpu.memory_space<vmem>>
      %gather3A_706 = tpu.vector_load_idx %gather3A_705[%convert_element_type3A] : memref<8xf32, #tpu.memory_space<vmem>>[vector<16xi32>], vector<16xf32>,
      %mul3A_707 = arith.mulf %gather3A_106, %gather3A_706 : vector<16xf32>
      %add3A_708 = arith.addf %add3A_698, %mul3A_707 : vector<16xf32>
      %gather3A_709 = arith.constant 448 : i32
      %gather3A_710 = tpu.memref_slice %arg8[%gather3A_709] : memref<800xf32, #tpu.memory_space<vmem>> -> memref<8xf32, #tpu.memory_space<vmem>>
      %gather3A_711 = tpu.vector_load_idx %gather3A_710[%convert_element_type3A] : memref<8xf32, #tpu.memory_space<vmem>>[vector<16xi32>], vector<16xf32>,
      %mul3A_712 = arith.mulf %gather3A_111, %gather3A_711 : vector<16xf32>
      %add3A_713 = arith.addf %add3A_703, %mul3A_712 : vector<16xf32>
      %gather3A_714 = arith.constant 528 : i32
      %gather3A_715 = tpu.memref_slice %arg8[%gather3A_714] : memref<800xf32, #tpu.memory_space<vmem>> -> memref<8xf32, #tpu.memory_space<vmem>>
      %gather3A_716 = tpu.vector_load_idx %gather3A_715[%convert_element_type3A] : memref<8xf32, #tpu.memory_space<vmem>>[vector<16xi32>], vector<16xf32>,
      %mul3A_717 = arith.mulf %gather3A_116, %gather3A_716 : vector<16xf32>
      %add3A_718 = arith.addf %add3A_708, %mul3A_717 : vector<16xf32>
      %gather3A_719 = arith.constant 608 : i32
      %gather3A_720 = tpu.memref_slice %arg8[%gather3A_719] : memref<800xf32, #tpu.memory_space<vmem>> -> memref<8xf32, #tpu.memory_space<vmem>>
      %gather3A_721 = tpu.vector_load_idx %gather3A_720[%convert_element_type3A] : memref<8xf32, #tpu.memory_space<vmem>>[vector<16xi32>], vector<16xf32>,
      %mul3A_722 = arith.mulf %gather3A_121, %gather3A_721 : vector<16xf32>
      %add3A_723 = arith.addf %add3A_713, %mul3A_722 : vector<16xf32>
      %gather3A_724 = arith.constant 688 : i32
      %gather3A_725 = tpu.memref_slice %arg8[%gather3A_724] : memref<800xf32, #tpu.memory_space<vmem>> -> memref<8xf32, #tpu.memory_space<vmem>>
      %gather3A_726 = tpu.vector_load_idx %gather3A_725[%convert_element_type3A] : memref<8xf32, #tpu.memory_space<vmem>>[vector<16xi32>], vector<16xf32>,
      %mul3A_727 = arith.mulf %gather3A_126, %gather3A_726 : vector<16xf32>
      %add3A_728 = arith.addf %add3A_718, %mul3A_727 : vector<16xf32>
      %gather3A_729 = arith.constant 768 : i32
      %gather3A_730 = tpu.memref_slice %arg8[%gather3A_729] : memref<800xf32, #tpu.memory_space<vmem>> -> memref<8xf32, #tpu.memory_space<vmem>>
      %gather3A_731 = tpu.vector_load_idx %gather3A_730[%convert_element_type3A] : memref<8xf32, #tpu.memory_space<vmem>>[vector<16xi32>], vector<16xf32>,
      %mul3A_732 = arith.mulf %gather3A_131, %gather3A_731 : vector<16xf32>
      %add3A_733 = arith.addf %add3A_723, %mul3A_732 : vector<16xf32>
      %add3A_734 = arith.addf %add3A_728, %add3A_733 : vector<16xf32>
      %mul3A_735 = arith.mulf %div3A_349, %add3A_734 : vector<16xf32>
      %add3A_736 = vector.broadcast %squeeze3A_68 : f32 to vector<16xf32>
      %add3A_737 = arith.addf %add3A_736, %mul3A_735 : vector<16xf32>
      %add3A_738 = arith.constant 6 : i32
      %add3A_739 = arith.addi %mul3A_82, %add3A_738 : i32
      %add3A_740 = vector.broadcast %add3A_739 : i32 to vector<16xi32>
      %add3A_741 = arith.addi %mul3A_7, %add3A_740 : vector<16xi32>
      tpu.vector_store_idx %arg7[%add3A_741], %add3A_737 : memref<10240xf32, #tpu.memory_space<vmem>>[vector<16xi32>], vector<16xf32>,
      %gather3A_742 = arith.constant 56 : i32
      %gather3A_743 = tpu.memref_slice %arg8[%gather3A_742] : memref<800xf32, #tpu.memory_space<vmem>> -> memref<8xf32, #tpu.memory_space<vmem>>
      %gather3A_744 = tpu.vector_load_idx %gather3A_743[%convert_element_type3A] : memref<8xf32, #tpu.memory_space<vmem>>[vector<16xi32>], vector<16xf32>,
      %mul3A_745 = arith.mulf %gather3A, %gather3A_744 : vector<16xf32>
      %gather3A_746 = arith.constant 136 : i32
      %gather3A_747 = tpu.memref_slice %arg8[%gather3A_746] : memref<800xf32, #tpu.memory_space<vmem>> -> memref<8xf32, #tpu.memory_space<vmem>>
      %gather3A_748 = tpu.vector_load_idx %gather3A_747[%convert_element_type3A] : memref<8xf32, #tpu.memory_space<vmem>>[vector<16xi32>], vector<16xf32>,
      %mul3A_749 = arith.mulf %gather3A_91, %gather3A_748 : vector<16xf32>
      %gather3A_750 = arith.constant 216 : i32
      %gather3A_751 = tpu.memref_slice %arg8[%gather3A_750] : memref<800xf32, #tpu.memory_space<vmem>> -> memref<8xf32, #tpu.memory_space<vmem>>
      %gather3A_752 = tpu.vector_load_idx %gather3A_751[%convert_element_type3A] : memref<8xf32, #tpu.memory_space<vmem>>[vector<16xi32>], vector<16xf32>,
      %mul3A_753 = arith.mulf %gather3A_96, %gather3A_752 : vector<16xf32>
      %add3A_754 = arith.addf %mul3A_745, %mul3A_753 : vector<16xf32>
      %gather3A_755 = arith.constant 296 : i32
      %gather3A_756 = tpu.memref_slice %arg8[%gather3A_755] : memref<800xf32, #tpu.memory_space<vmem>> -> memref<8xf32, #tpu.memory_space<vmem>>
      %gather3A_757 = tpu.vector_load_idx %gather3A_756[%convert_element_type3A] : memref<8xf32, #tpu.memory_space<vmem>>[vector<16xi32>], vector<16xf32>,
      %mul3A_758 = arith.mulf %gather3A_101, %gather3A_757 : vector<16xf32>
      %add3A_759 = arith.addf %mul3A_749, %mul3A_758 : vector<16xf32>
      %gather3A_760 = arith.constant 376 : i32
      %gather3A_761 = tpu.memref_slice %arg8[%gather3A_760] : memref<800xf32, #tpu.memory_space<vmem>> -> memref<8xf32, #tpu.memory_space<vmem>>
      %gather3A_762 = tpu.vector_load_idx %gather3A_761[%convert_element_type3A] : memref<8xf32, #tpu.memory_space<vmem>>[vector<16xi32>], vector<16xf32>,
      %mul3A_763 = arith.mulf %gather3A_106, %gather3A_762 : vector<16xf32>
      %add3A_764 = arith.addf %add3A_754, %mul3A_763 : vector<16xf32>
      %gather3A_765 = arith.constant 456 : i32
      %gather3A_766 = tpu.memref_slice %arg8[%gather3A_765] : memref<800xf32, #tpu.memory_space<vmem>> -> memref<8xf32, #tpu.memory_space<vmem>>
      %gather3A_767 = tpu.vector_load_idx %gather3A_766[%convert_element_type3A] : memref<8xf32, #tpu.memory_space<vmem>>[vector<16xi32>], vector<16xf32>,
      %mul3A_768 = arith.mulf %gather3A_111, %gather3A_767 : vector<16xf32>
      %add3A_769 = arith.addf %add3A_759, %mul3A_768 : vector<16xf32>
      %gather3A_770 = arith.constant 536 : i32
      %gather3A_771 = tpu.memref_slice %arg8[%gather3A_770] : memref<800xf32, #tpu.memory_space<vmem>> -> memref<8xf32, #tpu.memory_space<vmem>>
      %gather3A_772 = tpu.vector_load_idx %gather3A_771[%convert_element_type3A] : memref<8xf32, #tpu.memory_space<vmem>>[vector<16xi32>], vector<16xf32>,
      %mul3A_773 = arith.mulf %gather3A_116, %gather3A_772 : vector<16xf32>
      %add3A_774 = arith.addf %add3A_764, %mul3A_773 : vector<16xf32>
      %gather3A_775 = arith.constant 616 : i32
      %gather3A_776 = tpu.memref_slice %arg8[%gather3A_775] : memref<800xf32, #tpu.memory_space<vmem>> -> memref<8xf32, #tpu.memory_space<vmem>>
      %gather3A_777 = tpu.vector_load_idx %gather3A_776[%convert_element_type3A] : memref<8xf32, #tpu.memory_space<vmem>>[vector<16xi32>], vector<16xf32>,
      %mul3A_778 = arith.mulf %gather3A_121, %gather3A_777 : vector<16xf32>
      %add3A_779 = arith.addf %add3A_769, %mul3A_778 : vector<16xf32>
      %gather3A_780 = arith.constant 696 : i32
      %gather3A_781 = tpu.memref_slice %arg8[%gather3A_780] : memref<800xf32, #tpu.memory_space<vmem>> -> memref<8xf32, #tpu.memory_space<vmem>>
      %gather3A_782 = tpu.vector_load_idx %gather3A_781[%convert_element_type3A] : memref<8xf32, #tpu.memory_space<vmem>>[vector<16xi32>], vector<16xf32>,
      %mul3A_783 = arith.mulf %gather3A_126, %gather3A_782 : vector<16xf32>
      %add3A_784 = arith.addf %add3A_774, %mul3A_783 : vector<16xf32>
      %gather3A_785 = arith.constant 776 : i32
      %gather3A_786 = tpu.memref_slice %arg8[%gather3A_785] : memref<800xf32, #tpu.memory_space<vmem>> -> memref<8xf32, #tpu.memory_space<vmem>>
      %gather3A_787 = tpu.vector_load_idx %gather3A_786[%convert_element_type3A] : memref<8xf32, #tpu.memory_space<vmem>>[vector<16xi32>], vector<16xf32>,
      %mul3A_788 = arith.mulf %gather3A_131, %gather3A_787 : vector<16xf32>
      %add3A_789 = arith.addf %add3A_779, %mul3A_788 : vector<16xf32>
      %add3A_790 = arith.addf %add3A_784, %add3A_789 : vector<16xf32>
      %mul3A_791 = arith.mulf %div3A_349, %add3A_790 : vector<16xf32>
      %add3A_792 = vector.broadcast %squeeze3A_70 : f32 to vector<16xf32>
      %add3A_793 = arith.addf %add3A_792, %mul3A_791 : vector<16xf32>
      %add3A_794 = arith.constant 7 : i32
      %add3A_795 = arith.addi %mul3A_82, %add3A_794 : i32
      %add3A_796 = vector.broadcast %add3A_795 : i32 to vector<16xi32>
      %add3A_797 = arith.addi %mul3A_7, %add3A_796 : vector<16xi32>
      tpu.vector_store_idx %arg7[%add3A_797], %add3A_793 : memref<10240xf32, #tpu.memory_space<vmem>>[vector<16xi32>], vector<16xf32>,
      %gather3A_798 = arith.constant 64 : i32
      %gather3A_799 = tpu.memref_slice %arg8[%gather3A_798] : memref<800xf32, #tpu.memory_space<vmem>> -> memref<8xf32, #tpu.memory_space<vmem>>
      %gather3A_800 = tpu.vector_load_idx %gather3A_799[%convert_element_type3A] : memref<8xf32, #tpu.memory_space<vmem>>[vector<16xi32>], vector<16xf32>,
      %mul3A_801 = arith.mulf %gather3A, %gather3A_800 : vector<16xf32>
      %gather3A_802 = arith.constant 144 : i32
      %gather3A_803 = tpu.memref_slice %arg8[%gather3A_802] : memref<800xf32, #tpu.memory_space<vmem>> -> memref<8xf32, #tpu.memory_space<vmem>>
      %gather3A_804 = tpu.vector_load_idx %gather3A_803[%convert_element_type3A] : memref<8xf32, #tpu.memory_space<vmem>>[vector<16xi32>], vector<16xf32>,
      %mul3A_805 = arith.mulf %gather3A_91, %gather3A_804 : vector<16xf32>
      %gather3A_806 = arith.constant 224 : i32
      %gather3A_807 = tpu.memref_slice %arg8[%gather3A_806] : memref<800xf32, #tpu.memory_space<vmem>> -> memref<8xf32, #tpu.memory_space<vmem>>
      %gather3A_808 = tpu.vector_load_idx %gather3A_807[%convert_element_type3A] : memref<8xf32, #tpu.memory_space<vmem>>[vector<16xi32>], vector<16xf32>,
      %mul3A_809 = arith.mulf %gather3A_96, %gather3A_808 : vector<16xf32>
      %add3A_810 = arith.addf %mul3A_801, %mul3A_809 : vector<16xf32>
      %gather3A_811 = arith.constant 304 : i32
      %gather3A_812 = tpu.memref_slice %arg8[%gather3A_811] : memref<800xf32, #tpu.memory_space<vmem>> -> memref<8xf32, #tpu.memory_space<vmem>>
      %gather3A_813 = tpu.vector_load_idx %gather3A_812[%convert_element_type3A] : memref<8xf32, #tpu.memory_space<vmem>>[vector<16xi32>], vector<16xf32>,
      %mul3A_814 = arith.mulf %gather3A_101, %gather3A_813 : vector<16xf32>
      %add3A_815 = arith.addf %mul3A_805, %mul3A_814 : vector<16xf32>
      %gather3A_816 = arith.constant 384 : i32
      %gather3A_817 = tpu.memref_slice %arg8[%gather3A_816] : memref<800xf32, #tpu.memory_space<vmem>> -> memref<8xf32, #tpu.memory_space<vmem>>
      %gather3A_818 = tpu.vector_load_idx %gather3A_817[%convert_element_type3A] : memref<8xf32, #tpu.memory_space<vmem>>[vector<16xi32>], vector<16xf32>,
      %mul3A_819 = arith.mulf %gather3A_106, %gather3A_818 : vector<16xf32>
      %add3A_820 = arith.addf %add3A_810, %mul3A_819 : vector<16xf32>
      %gather3A_821 = arith.constant 464 : i32
      %gather3A_822 = tpu.memref_slice %arg8[%gather3A_821] : memref<800xf32, #tpu.memory_space<vmem>> -> memref<8xf32, #tpu.memory_space<vmem>>
      %gather3A_823 = tpu.vector_load_idx %gather3A_822[%convert_element_type3A] : memref<8xf32, #tpu.memory_space<vmem>>[vector<16xi32>], vector<16xf32>,
      %mul3A_824 = arith.mulf %gather3A_111, %gather3A_823 : vector<16xf32>
      %add3A_825 = arith.addf %add3A_815, %mul3A_824 : vector<16xf32>
      %gather3A_826 = arith.constant 544 : i32
      %gather3A_827 = tpu.memref_slice %arg8[%gather3A_826] : memref<800xf32, #tpu.memory_space<vmem>> -> memref<8xf32, #tpu.memory_space<vmem>>
      %gather3A_828 = tpu.vector_load_idx %gather3A_827[%convert_element_type3A] : memref<8xf32, #tpu.memory_space<vmem>>[vector<16xi32>], vector<16xf32>,
      %mul3A_829 = arith.mulf %gather3A_116, %gather3A_828 : vector<16xf32>
      %add3A_830 = arith.addf %add3A_820, %mul3A_829 : vector<16xf32>
      %gather3A_831 = arith.constant 624 : i32
      %gather3A_832 = tpu.memref_slice %arg8[%gather3A_831] : memref<800xf32, #tpu.memory_space<vmem>> -> memref<8xf32, #tpu.memory_space<vmem>>
      %gather3A_833 = tpu.vector_load_idx %gather3A_832[%convert_element_type3A] : memref<8xf32, #tpu.memory_space<vmem>>[vector<16xi32>], vector<16xf32>,
      %mul3A_834 = arith.mulf %gather3A_121, %gather3A_833 : vector<16xf32>
      %add3A_835 = arith.addf %add3A_825, %mul3A_834 : vector<16xf32>
      %gather3A_836 = arith.constant 704 : i32
      %gather3A_837 = tpu.memref_slice %arg8[%gather3A_836] : memref<800xf32, #tpu.memory_space<vmem>> -> memref<8xf32, #tpu.memory_space<vmem>>
      %gather3A_838 = tpu.vector_load_idx %gather3A_837[%convert_element_type3A] : memref<8xf32, #tpu.memory_space<vmem>>[vector<16xi32>], vector<16xf32>,
      %mul3A_839 = arith.mulf %gather3A_126, %gather3A_838 : vector<16xf32>
      %add3A_840 = arith.addf %add3A_830, %mul3A_839 : vector<16xf32>
      %gather3A_841 = arith.constant 784 : i32
      %gather3A_842 = tpu.memref_slice %arg8[%gather3A_841] : memref<800xf32, #tpu.memory_space<vmem>> -> memref<8xf32, #tpu.memory_space<vmem>>
      %gather3A_843 = tpu.vector_load_idx %gather3A_842[%convert_element_type3A] : memref<8xf32, #tpu.memory_space<vmem>>[vector<16xi32>], vector<16xf32>,
      %mul3A_844 = arith.mulf %gather3A_131, %gather3A_843 : vector<16xf32>
      %add3A_845 = arith.addf %add3A_835, %mul3A_844 : vector<16xf32>
      %add3A_846 = arith.addf %add3A_840, %add3A_845 : vector<16xf32>
      %mul3A_847 = arith.mulf %div3A_349, %add3A_846 : vector<16xf32>
      %add3A_848 = vector.broadcast %squeeze3A_72 : f32 to vector<16xf32>
      %add3A_849 = arith.addf %add3A_848, %mul3A_847 : vector<16xf32>
      %add3A_850 = arith.constant 8 : i32
      %add3A_851 = arith.addi %mul3A_82, %add3A_850 : i32
      %add3A_852 = vector.broadcast %add3A_851 : i32 to vector<16xi32>
      %add3A_853 = arith.addi %mul3A_7, %add3A_852 : vector<16xi32>
      tpu.vector_store_idx %arg7[%add3A_853], %add3A_849 : memref<10240xf32, #tpu.memory_space<vmem>>[vector<16xi32>], vector<16xf32>,
      %gather3A_854 = arith.constant 72 : i32
      %gather3A_855 = tpu.memref_slice %arg8[%gather3A_854] : memref<800xf32, #tpu.memory_space<vmem>> -> memref<8xf32, #tpu.memory_space<vmem>>
      %gather3A_856 = tpu.vector_load_idx %gather3A_855[%convert_element_type3A] : memref<8xf32, #tpu.memory_space<vmem>>[vector<16xi32>], vector<16xf32>,
      %mul3A_857 = arith.mulf %gather3A, %gather3A_856 : vector<16xf32>
      %gather3A_858 = arith.constant 152 : i32
      %gather3A_859 = tpu.memref_slice %arg8[%gather3A_858] : memref<800xf32, #tpu.memory_space<vmem>> -> memref<8xf32, #tpu.memory_space<vmem>>
      %gather3A_860 = tpu.vector_load_idx %gather3A_859[%convert_element_type3A] : memref<8xf32, #tpu.memory_space<vmem>>[vector<16xi32>], vector<16xf32>,
      %mul3A_861 = arith.mulf %gather3A_91, %gather3A_860 : vector<16xf32>
      %gather3A_862 = arith.constant 232 : i32
      %gather3A_863 = tpu.memref_slice %arg8[%gather3A_862] : memref<800xf32, #tpu.memory_space<vmem>> -> memref<8xf32, #tpu.memory_space<vmem>>
      %gather3A_864 = tpu.vector_load_idx %gather3A_863[%convert_element_type3A] : memref<8xf32, #tpu.memory_space<vmem>>[vector<16xi32>], vector<16xf32>,
      %mul3A_865 = arith.mulf %gather3A_96, %gather3A_864 : vector<16xf32>
      %add3A_866 = arith.addf %mul3A_857, %mul3A_865 : vector<16xf32>
      %gather3A_867 = arith.constant 312 : i32
      %gather3A_868 = tpu.memref_slice %arg8[%gather3A_867] : memref<800xf32, #tpu.memory_space<vmem>> -> memref<8xf32, #tpu.memory_space<vmem>>
      %gather3A_869 = tpu.vector_load_idx %gather3A_868[%convert_element_type3A] : memref<8xf32, #tpu.memory_space<vmem>>[vector<16xi32>], vector<16xf32>,
      %mul3A_870 = arith.mulf %gather3A_101, %gather3A_869 : vector<16xf32>
      %add3A_871 = arith.addf %mul3A_861, %mul3A_870 : vector<16xf32>
      %gather3A_872 = arith.constant 392 : i32
      %gather3A_873 = tpu.memref_slice %arg8[%gather3A_872] : memref<800xf32, #tpu.memory_space<vmem>> -> memref<8xf32, #tpu.memory_space<vmem>>
      %gather3A_874 = tpu.vector_load_idx %gather3A_873[%convert_element_type3A] : memref<8xf32, #tpu.memory_space<vmem>>[vector<16xi32>], vector<16xf32>,
      %mul3A_875 = arith.mulf %gather3A_106, %gather3A_874 : vector<16xf32>
      %add3A_876 = arith.addf %add3A_866, %mul3A_875 : vector<16xf32>
      %gather3A_877 = arith.constant 472 : i32
      %gather3A_878 = tpu.memref_slice %arg8[%gather3A_877] : memref<800xf32, #tpu.memory_space<vmem>> -> memref<8xf32, #tpu.memory_space<vmem>>
      %gather3A_879 = tpu.vector_load_idx %gather3A_878[%convert_element_type3A] : memref<8xf32, #tpu.memory_space<vmem>>[vector<16xi32>], vector<16xf32>,
      %mul3A_880 = arith.mulf %gather3A_111, %gather3A_879 : vector<16xf32>
      %add3A_881 = arith.addf %add3A_871, %mul3A_880 : vector<16xf32>
      %gather3A_882 = arith.constant 552 : i32
      %gather3A_883 = tpu.memref_slice %arg8[%gather3A_882] : memref<800xf32, #tpu.memory_space<vmem>> -> memref<8xf32, #tpu.memory_space<vmem>>
      %gather3A_884 = tpu.vector_load_idx %gather3A_883[%convert_element_type3A] : memref<8xf32, #tpu.memory_space<vmem>>[vector<16xi32>], vector<16xf32>,
      %mul3A_885 = arith.mulf %gather3A_116, %gather3A_884 : vector<16xf32>
      %add3A_886 = arith.addf %add3A_876, %mul3A_885 : vector<16xf32>
      %gather3A_887 = arith.constant 632 : i32
      %gather3A_888 = tpu.memref_slice %arg8[%gather3A_887] : memref<800xf32, #tpu.memory_space<vmem>> -> memref<8xf32, #tpu.memory_space<vmem>>
      %gather3A_889 = tpu.vector_load_idx %gather3A_888[%convert_element_type3A] : memref<8xf32, #tpu.memory_space<vmem>>[vector<16xi32>], vector<16xf32>,
      %mul3A_890 = arith.mulf %gather3A_121, %gather3A_889 : vector<16xf32>
      %add3A_891 = arith.addf %add3A_881, %mul3A_890 : vector<16xf32>
      %gather3A_892 = arith.constant 712 : i32
      %gather3A_893 = tpu.memref_slice %arg8[%gather3A_892] : memref<800xf32, #tpu.memory_space<vmem>> -> memref<8xf32, #tpu.memory_space<vmem>>
      %gather3A_894 = tpu.vector_load_idx %gather3A_893[%convert_element_type3A] : memref<8xf32, #tpu.memory_space<vmem>>[vector<16xi32>], vector<16xf32>,
      %mul3A_895 = arith.mulf %gather3A_126, %gather3A_894 : vector<16xf32>
      %add3A_896 = arith.addf %add3A_886, %mul3A_895 : vector<16xf32>
      %gather3A_897 = arith.constant 792 : i32
      %gather3A_898 = tpu.memref_slice %arg8[%gather3A_897] : memref<800xf32, #tpu.memory_space<vmem>> -> memref<8xf32, #tpu.memory_space<vmem>>
      %gather3A_899 = tpu.vector_load_idx %gather3A_898[%convert_element_type3A] : memref<8xf32, #tpu.memory_space<vmem>>[vector<16xi32>], vector<16xf32>,
      %mul3A_900 = arith.mulf %gather3A_131, %gather3A_899 : vector<16xf32>
      %add3A_901 = arith.addf %add3A_891, %mul3A_900 : vector<16xf32>
      %add3A_902 = arith.addf %add3A_896, %add3A_901 : vector<16xf32>
      %mul3A_903 = arith.mulf %div3A_349, %add3A_902 : vector<16xf32>
      %add3A_904 = vector.broadcast %squeeze3A_74 : f32 to vector<16xf32>
      %add3A_905 = arith.addf %add3A_904, %mul3A_903 : vector<16xf32>
      %add3A_906 = arith.constant 9 : i32
      %add3A_907 = arith.addi %mul3A_82, %add3A_906 : i32
      %add3A_908 = vector.broadcast %add3A_907 : i32 to vector<16xi32>
      %add3A_909 = arith.addi %mul3A_7, %add3A_908 : vector<16xi32>
      tpu.vector_store_idx %arg7[%add3A_909], %add3A_905 : memref<10240xf32, #tpu.memory_space<vmem>>[vector<16xi32>], vector<16xf32>,
    }
    %scan3A_79 = arith.constant 64 : i32
    "tpu.region"() ({
      %run_scoped3A = tpu.sem_alloc : memref<!tpu.dma_semaphore, #tpu.memory_space<semaphore_mem>>
      %dma_start3A_80 = tpu.memref_slice %arg5[%mul3A_2] : memref<327680xf32, #tpu.memory_space<hbm>> -> memref<10240xf32, #tpu.memory_space<hbm>>
      %dma_start3A_81 = tpu.memref_slice %arg5[%mul3A_2] : memref<327680xf32, #tpu.memory_space<hbm>> -> memref<10240xf32, #tpu.memory_space<hbm>>
      tpu.enqueue_dma source(%arg7 : memref<10240xf32, #tpu.memory_space<vmem>>) target(%dma_start3A_81 : memref<10240xf32, #tpu.memory_space<hbm>>) target_semaphore(%run_scoped3A : memref<!tpu.dma_semaphore, #tpu.memory_space<semaphore_mem>>)
      %dma_wait3A_82 = tpu.memref_slice %arg5[%mul3A_2] : memref<327680xf32, #tpu.memory_space<hbm>> -> memref<10240xf32, #tpu.memory_space<hbm>>
      %dma_wait3A_83 = tpu.memref_slice %arg5[%mul3A_2] : memref<327680xf32, #tpu.memory_space<hbm>> -> memref<10240xf32, #tpu.memory_space<hbm>>
      tpu.wait_dma2 semaphore(%run_scoped3A : memref<!tpu.dma_semaphore, #tpu.memory_space<semaphore_mem>>) src(%arg7 : memref<10240xf32, #tpu.memory_space<vmem>>) dst(%dma_wait3A_83 : memref<10240xf32, #tpu.memory_space<hbm>>)
      tpu.yield
    }) : () -> ()
    return
  }
}

</mosaic_0001>

<sc_bundles>
// kernel: kernel.3.cloned.1.call-start
scs
__scs_entry_jumppad:
0x0: {  	(pc) =	sbr.rel $0x88, $3  }
0x1: {  	(tag) =	ssettag $0x0;
	lr =	simm.s32 $0x1  }
0x2: {  	[smem:$0x3F9A] =	sst lr;
	_ =	strace $0xD0000000  }
0x3: {  	_ = 	snop  }
0x4: {  	_ = 	snop  }
0x5: {  	_ = 	snop  }
0x6: {  	_ = 	snop  }
0x7: {  	_ = 	snop  }
__scs_overlays_trampoline_lowered:
0x8: {  	[smem:$0x3FA9] =	sst s0  }
0x9: {  	[smem:$0x3FAA] =	sst s1  }
0xa: {  	[smem:$0x3FAB] =	sst s2  }
0xb: {  	[smem:$0x3FAC] =	sst s3  }
0xc: {  	[smem:$0x3FAD] =	sst s4  }
0xd: {  	[smem:$0x3FAE] =	sst s5  }
0xe: {  	[smem:$0x3FAF] =	sst s6  }
0xf: {  	[smem:$0x3FB0] =	sst s7  }
0x10: {  	[smem:$0x3FB1] =	sst s8  }
0x11: {  	[smem:$0x3FB2] =	sst s9;
	s0 =	simm.s32 @!p0 $0x0  }
0x12: {  	s1 =	sld [smem:$0x3F98];
	s0 =	simm.s32 @p0 $0x1  }
0x13: {  	[smem:$0x3FB3] =	sst s0;
	s0 =	simm.s32 @!p1 $0x0  }
0x14: {  	s2 =	sld [smem:$0x3F97];
	s0 =	simm.s32 @p1 $0x1  }
0x15: {  	[smem:$0x3FB4] =	sst s0;
	s0 =	simm.s32 @!p2 $0x0  }
0x16: {  	s3 =	sld [smem:$0x3FDB];
	s0 =	simm.s32 @p2 $0x1  }
0x17: {  	s4 =	simm.s32 $0x1BF5;
	[smem:$0x3FB6] =	sst s0  }
0x18: {  	s0 =	sld [smem:$0x3F99];
	_ =	swait.ge [sflag:s4], $0x0  }
0x19: {  	s7 =	sld [smem:$0x3F9A]  }
0x1a: {  	s8 =	sadd.s32 $0xFFFFE003, lr  }
0x1b: {  	s9 =	sadd.s32 $0xFFFFFEF7, lr;
	s5 =	simm.s32 $0xFFFFFFFF;
	p2 =	slt.u32 s8, $0xFFFFF086  }
0x1c: {  	p1 =	slt.u32 s9, $0xF7A;
	s5 =	simm.s32 @!p2 $0x0  }
0x1d: {  	s5 =	simm.s32 @p1 $0x1;
	p0 =	seq.s32 s7, s2  }
0x1e: {  	s7 =	smul.u32 @!p0 $0xF7A, s2;
	p2 =	seq.s32 @!p0 s5, $0x0  }
0x1f: {  	s9 =	smul.u32 $0xF7A, s1;
	s8 =	simm.s32 @!p0 $0x1BF5;
	p2 =	por !p2, p0  }
0x20: {  	[sflag:s8] =	ssyncset.s32 @!p0 $0xFFFFF086;
	s6 =	sadd.s32 @!p0 s3, s7;
	s7 =	simm.s32 @!p0 $0x108  }
0x21: {  	s3 =	sadd.s32 s3, s9;
	s6 =	sadd.s32 @!p0 $0x88, s6;
	s7 =	simm.s32 @p2 $0x1082  }
0x22: {  	[simem:s7], [sflag:s8] =	dma.local @!p0 [hbm:s6], $0xF7A  }
0x23: {  	s9 =	sor.u32 $0xD0000000, s2;
	s6 =	simm.s32 $0x108;
	_ =	swait.ge @!p0 [sflag:s8], $0x0  }
0x24: {  	s3 =	sadd.s32 $0x88, s3;
	s6 =	simm.s32 @!p1 $0x1082;
	[sflag:s4] =	ssyncset.s32 $0xFFFFF086  }
0x25: {  	[simem:s6], [sflag:s4] =	dma.local [hbm:s3], $0xF7A  }
0x26: {  	[smem:$0x3F9A] =	sst s1;
	(tag) =	ssettag s2;
	_ =	strace s9  }
0x27: {  	s1 =	sld [smem:$0x3FAA]  }
0x28: {  	s2 =	sld [smem:$0x3FAB]  }
0x29: {  	s4 =	sld [smem:$0x3FAD]  }
0x2a: {  	p0 =	seq.s32 s5, $0x0;
	s5 =	sld [smem:$0x3FAE]  }
0x2b: {  	s6 =	sld [smem:$0x3FAF]  }
0x2c: {  	s7 =	sld [smem:$0x3FB0]  }
0x2d: {  	s3 =	simm.s32 $0x108;
	s8 =	sld [smem:$0x3FB1]  }
0x2e: {  	s3 =	simm.s32 @!p0 $0x1082;
	s9 =	sld [smem:$0x3FB2]  }
0x2f: {  	lr =	sadd.s32 s0, s3;
	s0 =	sld [smem:$0x3FA9]  }
0x30: {  	s3 =	sld [smem:$0x3FAC]  }
0x31: {  	[smem:$0x3FB5] =	sst s10  }
0x32: {  	s10 =	sld [smem:$0x3FB3];
	_ =	sdelay $0x3  }
0x33: {  	p0 =	seq.s32 s10, $0x1;
	s10 =	sld [smem:$0x3FB5];
	_ =	sdelay $0x3  }
0x34: {  	[smem:$0x3FB5] =	sst s10  }
0x35: {  	s10 =	sld [smem:$0x3FB4];
	_ =	sdelay $0x3  }
0x36: {  	p1 =	seq.s32 s10, $0x1;
	s10 =	sld [smem:$0x3FB5];
	_ =	sdelay $0x3  }
0x37: {  	[smem:$0x3FB5] =	sst s10  }
0x38: {  	s10 =	sld [smem:$0x3FB6]  }
0x39: {  	_ = 	snop;
	(pc) =	sbr.ind lr, $3  }
0x3a: {  	_ = 	snop  }
0x3b: {  	_ = 	snop  }
0x3c: {  	p2 =	seq.s32 s10, $0x1;
	s10 =	sld [smem:$0x3FB5]  }
0x3d: {  	_ =	shalt  }
0x3e: {  	_ =	shalt  }
0x3f: {  	_ =	shalt  }
0x40: {  	_ =	shalt  }
0x41: {  	_ =	shalt  }
0x42: {  	_ =	shalt  }
0x43: {  	_ =	shalt  }
0x44: {  	_ =	shalt  }
0x45: {  	_ =	shalt  }
0x46: {  	_ =	shalt  }
0x47: {  	_ =	shalt  }
0x48: {  	_ =	shalt  }
0x49: {  	_ =	shalt  }
0x4a: {  	_ =	shalt  }
0x4b: {  	_ =	shalt  }
0x4c: {  	_ =	shalt  }
0x4d: {  	_ =	shalt  }
0x4e: {  	_ =	shalt  }
0x4f: {  	_ =	shalt  }
0x50: {  	_ =	shalt  }
0x51: {  	_ =	shalt  }
0x52: {  	_ =	shalt  }
0x53: {  	_ =	shalt  }
0x54: {  	_ =	shalt  }
0x55: {  	_ =	shalt  }
0x56: {  	_ =	shalt  }
0x57: {  	_ =	shalt  }
0x58: {  	_ =	shalt  }
0x59: {  	_ =	shalt  }
0x5a: {  	_ =	shalt  }
0x5b: {  	_ =	shalt  }
0x5c: {  	_ =	shalt  }
0x5d: {  	_ =	shalt  }
0x5e: {  	_ =	shalt  }
0x5f: {  	_ =	shalt  }
0x60: {  	_ =	shalt  }
0x61: {  	_ =	shalt  }
0x62: {  	_ =	shalt  }
0x63: {  	_ =	shalt  }
0x64: {  	_ =	shalt  }
0x65: {  	_ =	shalt  }
0x66: {  	_ =	shalt  }
0x67: {  	_ =	shalt  }
0x68: {  	_ =	shalt  }
0x69: {  	_ =	shalt  }
0x6a: {  	_ =	shalt  }
0x6b: {  	_ =	shalt  }
0x6c: {  	_ =	shalt  }
0x6d: {  	_ =	shalt  }
0x6e: {  	_ =	shalt  }
0x6f: {  	_ =	shalt  }
0x70: {  	_ =	shalt  }
0x71: {  	_ =	shalt  }
0x72: {  	_ =	shalt  }
0x73: {  	_ =	shalt  }
0x74: {  	_ =	shalt  }
0x75: {  	_ =	shalt  }
0x76: {  	_ =	shalt  }
0x77: {  	_ =	shalt  }
0x78: {  	_ =	shalt  }
0x79: {  	_ =	shalt  }
0x7a: {  	_ =	shalt  }
0x7b: {  	_ =	shalt  }
0x7c: {  	_ =	shalt  }
0x7d: {  	_ =	shalt  }
0x7e: {  	_ =	shalt  }
0x7f: {  	_ =	shalt  }
0x80: {  	_ =	shalt  }
0x81: {  	_ =	shalt  }
0x82: {  	_ =	shalt  }
0x83: {  	_ =	shalt  }
0x84: {  	_ =	shalt  }
0x85: {  	_ =	shalt  }
0x86: {  	_ =	shalt  }
0x87: {  	_ =	shalt  }
.Lfunc_end0:
.L_simem_size_0:
called_computation_lowered:
.L_overlay_start_0:
0x88: {  	s2 =	sld [smem:$0x3FD9]  }
0x89: {  	s3 =	sld [smem:$0x3FFE];
	_ =	sdelay $0x1  }
0x8a: {  	s1 =	srdreg.scid  }
0x8b: {  	s0 =	sand.u32 $0x1, s1  }
0x8c: {  	s17 =	sshll.u32 s0, $0xA;
	s2 =	sadd.s32 s3, s2  }
0x8d: {  	s2 =	sadd.s32 s2, s17  }
0x8e: {  	[smem:$0x3FC1] =	sst s2  }
0x8f: {  	_ = 	snop  }
0x90: {  	s2 =	sld [smem:$0x3FD0];
	(tm) =	ssettm $0x1  }
0x91: {  	s18 =	sld [smem:$0x3FFB];
	_ =	sdelay $0x3  }
0x92: {  	_ =	strace s18  }
0x93: {  	s3 =	sld [smem:$0x3FFC];
	_ =	sdelay $0x3  }
0x94: {  	_ =	strace s3  }
0x95: {  	s3 =	sld [smem:$0x3FFD];
	_ =	sdelay $0x3  }
0x96: {  	_ =	strace s3  }
0x97: {  	_ =	strace $0x8FFFFFFF  }
0x98: {  	s19 =	sld [smem:$0x3FDB];
	_ =	sdelay $0x1  }
0x99: {  	s4 =	simm.s32 $_scs_section_size  }
0x9a: {  	s5 =	simm.s32 $_size__tile_overlayer_lowered;
	s6 =	simm.s32 $_tile_overlayer_lowered  }
0x9b: {  	s22 =	simm.s32 $0x1BFF;
	s21 =	sshll.u32 s6, $0x1;
	s3 =	sadd.s32 s4, s19  }
0x9c: {  	s7 =	simm.s32 $0x0;
	s20 =	sshll.u32 s5, $0x1;
	s5 =	sadd.s32 s21, s3  }
0x9d: {  	[timem:s7], [sflag:s22] =	dma.local [hbm:s5], s20  }
0x9e: {  	_ =	swait.ge [sflag:s22], s20  }
0x9f: {  	s4 =	ssub.s32 $0x0, s20;
	[sflag:s22] =	ssyncset.done $0x0  }
0xa0: {  	[sflag:s22] =	ssyncadd.s32 s4;
	_ =	sdelay $0x1  }
0xa1: {  	s23 =	simm.s32 $0x1B8B  }
0xa2: {  	_ =	swait.ge [sflag:s23], $0x1  }
0xa3: {  	[sflag:s23] =	ssyncset.done $0x0  }
0xa4: {  	s25 =	simm.s32 $0x1B8E;
	s24 =	sld [smem:$0x3FFE];
	[sflag:s23] =	ssyncadd.s32 $0xFFFFFFFF  }
0xa5: {  	s26 =	simm.s32 $execute0_lowered;
	[smem:$0x3FD2] =	sst s25  }
0xa6: {  	s5 =	sshll.u32 s26, $0x1;
	_ =	strace $0x80000046;
	[dreg:$0x1] =	wrdreg $0xFFFFFFFF  }
0xa7: {  	s28 =	simm.s32 $_size_execute0_lowered;
	s3 =	sadd.s32 s3, s5;
	[dreg:$0x0] =	wrdreg $0x0  }
0xa8: {  	s5 =	sshll.u32 s28, $0x1;
	[dreg:$0x2] =	wrdreg s3  }
0xa9: {  	[dreg:$0x3] =	wrdreg s5  }
0xaa: {  	[dreg:$0x4] =	wrdreg $0xC0  }
0xab: {  	_ =	task [dreg:s7], $0x5FFFF  }
0xac: {  	[dreg:$0x1] =	wrdreg $0xFFFFFFFF  }
0xad: {  	[dreg:$0x0] =	wrdreg $0x60  }
0xae: {  	[dreg:$0x2] =	wrdreg s2  }
0xaf: {  	[dreg:$0x3] =	wrdreg s24  }
0xb0: {  	[dreg:$0x4] =	wrdreg $0x9  }
0xb1: {  	_ =	task.clear_ibuf [dreg:s7], $0x5FFFF;
	_ =	strace $0x90000046  }
0xb2: {  	s29 =	simm.s32 $0x9;
	_ =	strace $0x80000048  }
0xb3: {  	_ =	swait.ge [sflag:s29], $0x1  }
0xb4: {  	[sflag:s29] =	ssyncadd.s32 $0xFFFFFFFF  }
0xb5: {  	_ =	strace $0x90000048  }
0xb6: {  	_ =	sfence  }
0xb7: {  	s30 =	sld [smem:$0x0];
	_ =	sdelay $0x2  }
0xb8: {  	s31 =	sshll.u32 s1, $0xD;
	s1 =	sshrl.u32 s1, $0x2  }
0xb9: {  	s3 =	sand.u32 $0x4000, s31;
	s1 =	sadd.s32 s1, s30  }
0xba: {  	s0 =	sor.u32 s3, s0;
	s1 =	sshll.u32 s1, $0x11  }
0xbb: {  	s0 =	sor.u32 s1, s0  }
0xbc: {  	s0 =	sadd.s32 $0x8F2B, s0  }
0xbd: {  	[sflag:s0] =	ssyncadd.remote.s32 $0x1  }
0xbe: {  	_ =	sfence.sel $0xFFFF  }
0xbf: {  	[dreg:$0x0] =	wrdreg $0xFFFFFFFF;
	(pc) =	sbr.abs _section_cstart, $3  }
0xc0: {  	[dreg:$0x1] =	wrdreg $0xFFFFFFFF  }
0xc1: {  	_ =	task.clear_ibuf [dreg:s7], $0x2FFFF;
	_ =	strace $0x9FFFFFFF  }
0xc2: {  	(tm) =	ssettm $0x7FFFFFFF  }
0xc3: {  	_ =	shalt  }
tec
execute0_lowered:
.L_overlay_start_1:
0x0: {  	(tag) =	ssettag $0x1  }
0x1: {  	s0 =	rddreg [dreg:$0x0]  }
0x2: {  	s2 =	rddreg [dreg:$0x1];
	s1 =	simm.s32 $0x0  }
0x3: {  	s3 =	simm.s32 $0x5050;
	[smem:$0x7FF] =	sst s1  }
0x4: {  	s10 =	simm.s32 $0x50A0;
	_ =	strace $0x80000047;
	[dreg:$0x3] =	wrdreg s3  }
0x5: {  	s11 =	simm.s32 $0x50F0;
	[dreg:$0x4] =	wrdreg s10  }
0x6: {  	s12 =	simm.s32 $0x5140;
	[dreg:$0x5] =	wrdreg s11  }
0x7: {  	s13 =	simm.s32 $0x5190;
	[dreg:$0x6] =	wrdreg s12  }
0x8: {  	s14 =	simm.s32 $0x51E0;
	[dreg:$0x7] =	wrdreg s13  }
0x9: {  	s15 =	simm.s32 $0x5230;
	[dreg:$0x8] =	wrdreg s14  }
0xa: {  	s16 =	simm.s32 $0x5280;
	[dreg:$0x9] =	wrdreg s15  }
0xb: {  	s17 =	simm.s32 $0x52D0;
	[dreg:$0xa] =	wrdreg s16  }
0xc: {  	s18 =	simm.s32 $0x5008;
	[dreg:$0xb] =	wrdreg s17  }
0xd: {  	s19 =	simm.s32 $0x5058;
	[dreg:$0xc] =	wrdreg s18  }
0xe: {  	s20 =	simm.s32 $0x50A8;
	[dreg:$0xd] =	wrdreg s19  }
0xf: {  	s21 =	simm.s32 $0x50F8;
	[dreg:$0xe] =	wrdreg s20  }
0x10: {  	s22 =	simm.s32 $0x5148;
	[dreg:$0xf] =	wrdreg s21  }
0x11: {  	s23 =	simm.s32 $0x5198;
	[dreg:$0x10] =	wrdreg s22  }
0x12: {  	s24 =	simm.s32 $0x51E8;
	[dreg:$0x11] =	wrdreg s23  }
0x13: {  	s25 =	simm.s32 $0x5238;
	[dreg:$0x12] =	wrdreg s24  }
0x14: {  	s26 =	simm.s32 $0x5288;
	[dreg:$0x13] =	wrdreg s25  }
0x15: {  	s4 =	simm.s32 $0x52D8;
	[dreg:$0x14] =	wrdreg s26  }
0x16: {  	s5 =	simm.s32 $0x5010;
	[dreg:$0x15] =	wrdreg s4  }
0x17: {  	s6 =	simm.s32 $0x5060;
	[dreg:$0x16] =	wrdreg s5  }
0x18: {  	s7 =	simm.s32 $0x50B0;
	[dreg:$0x17] =	wrdreg s6  }
0x19: {  	s8 =	simm.s32 $0x5100;
	[dreg:$0x18] =	wrdreg s7  }
0x1a: {  	s9 =	simm.s32 $0x5150;
	[dreg:$0x19] =	wrdreg s8  }
0x1b: {  	[dreg:$0x1a] =	wrdreg s9;
	s10 =	simm.s32 $0x51A0  }
0x1c: {  	s11 =	simm.s32 $0x51F0;
	[dreg:$0x1b] =	wrdreg s10  }
0x1d: {  	s12 =	simm.s32 $0x5240;
	[dreg:$0x1c] =	wrdreg s11  }
0x1e: {  	s13 =	simm.s32 $0x5290;
	[dreg:$0x1d] =	wrdreg s12  }
0x1f: {  	s14 =	simm.s32 $0x52E0;
	[dreg:$0x1e] =	wrdreg s13  }
0x20: {  	s15 =	simm.s32 $0x5018;
	[dreg:$0x1f] =	wrdreg s14  }
0x21: {  	s16 =	simm.s32 $0x5068;
	[smem:$0x7C6] =	sst s15  }
0x22: {  	s17 =	simm.s32 $0x50B8;
	[smem:$0x7C7] =	sst s16  }
0x23: {  	s18 =	simm.s32 $0x5108;
	[smem:$0x7C8] =	sst s17  }
0x24: {  	s19 =	simm.s32 $0x5158;
	[smem:$0x7C9] =	sst s18  }
0x25: {  	s20 =	simm.s32 $0x51A8;
	[smem:$0x7CA] =	sst s19  }
0x26: {  	s21 =	simm.s32 $0x51F8;
	[smem:$0x7CB] =	sst s20  }
0x27: {  	s22 =	simm.s32 $0x5248;
	[smem:$0x7CC] =	sst s21  }
0x28: {  	s23 =	simm.s32 $0x5298;
	[smem:$0x7CD] =	sst s22  }
0x29: {  	s24 =	simm.s32 $0x52E8;
	[smem:$0x7CE] =	sst s23  }
0x2a: {  	s25 =	simm.s32 $0x5020;
	[smem:$0x7CF] =	sst s24  }
0x2b: {  	s26 =	simm.s32 $0x5070;
	[smem:$0x7D0] =	sst s25  }
0x2c: {  	s4 =	simm.s32 $0x50C0;
	[smem:$0x7D1] =	sst s26  }
0x2d: {  	s5 =	simm.s32 $0x5110;
	[smem:$0x7D2] =	sst s4  }
0x2e: {  	s6 =	simm.s32 $0x5160;
	[smem:$0x7D3] =	sst s5  }
0x2f: {  	s7 =	simm.s32 $0x51B0;
	[smem:$0x7D4] =	sst s6  }
0x30: {  	s8 =	simm.s32 $0x5200;
	[smem:$0x7D5] =	sst s7  }
0x31: {  	s9 =	simm.s32 $0x5250;
	[smem:$0x7D6] =	sst s8  }
0x32: {  	[smem:$0x7D7] =	sst s9;
	s10 =	simm.s32 $0x52A0  }
0x33: {  	s11 =	simm.s32 $0x52F0;
	[smem:$0x7D8] =	sst s10  }
0x34: {  	s12 =	simm.s32 $0x5028;
	[smem:$0x7D9] =	sst s11  }
0x35: {  	s13 =	simm.s32 $0x5078;
	[smem:$0x7DA] =	sst s12  }
0x36: {  	s14 =	simm.s32 $0x50C8;
	[smem:$0x7DB] =	sst s13  }
0x37: {  	s15 =	simm.s32 $0x5118;
	[smem:$0x7DC] =	sst s14  }
0x38: {  	s16 =	simm.s32 $0x5168;
	[smem:$0x7DD] =	sst s15  }
0x39: {  	s17 =	simm.s32 $0x51B8;
	[smem:$0x7DE] =	sst s16  }
0x3a: {  	s18 =	simm.s32 $0x5208;
	[smem:$0x7DF] =	sst s17  }
0x3b: {  	s19 =	simm.s32 $0x5258;
	[smem:$0x7E0] =	sst s18  }
0x3c: {  	s20 =	simm.s32 $0x52A8;
	[smem:$0x7E1] =	sst s19  }
0x3d: {  	s21 =	simm.s32 $0x52F8;
	[smem:$0x7E2] =	sst s20  }
0x3e: {  	s4 =	sadd.s32 $0x1000, s2;
	[smem:$0x7E3] =	sst s21  }
0x3f: {  	s22 =	simm.s32 $0x5030;
	[smem:$0x7E4] =	sst s4  }
0x40: {  	s23 =	simm.s32 $0x5080;
	[smem:$0x7E5] =	sst s22  }
0x41: {  	s25 =	simm.s32 $0x50D0;
	[smem:$0x7E6] =	sst s23  }
0x42: {  	s26 =	simm.s32 $0x5120;
	[smem:$0x7E7] =	sst s25  }
0x43: {  	s8 =	simm.s32 $0x51C0;
	[smem:$0x7E8] =	sst s26  }
0x44: {  	s9 =	simm.s32 $0x5210;
	[smem:$0x7EA] =	sst s8  }
0x45: {  	s4 =	simm.s32 $0x5170;
	[smem:$0x7EB] =	sst s9  }
0x46: {  	s12 =	sadd.s32 $0x1200, s2;
	[smem:$0x7E9] =	sst s4  }
0x47: {  	s11 =	simm.s32 $0x5260;
	[smem:$0x7EC] =	sst s12  }
0x48: {  	s28 =	simm.s32 $0x51D8;
	s13 =	simm.s32 $0x52B0;
	[smem:$0x7ED] =	sst s11  }
0x49: {  	s29 =	simm.s32 $0x5228;
	s14 =	simm.s32 $0x5300;
	[smem:$0x7EE] =	sst s13  }
0x4a: {  	s30 =	simm.s32 $0x5278;
	s15 =	simm.s32 $0x5038;
	[smem:$0x7EF] =	sst s14  }
0x4b: {  	s31 =	simm.s32 $0x52C8;
	s16 =	simm.s32 $0x5088;
	[smem:$0x7F0] =	sst s15  }
0x4c: {  	s3 =	simm.s32 $0x4;
	s17 =	simm.s32 $0x50D8;
	[smem:$0x7F1] =	sst s16  }
0x4d: {  	s24 =	srdreg.scid;
	s18 =	simm.s32 $0x5128;
	[smem:$0x7F3] =	sst s17  }
0x4e: {  	s6 =	stileid.u32;
	s19 =	simm.s32 $0x5178;
	[smem:$0x7F5] =	sst s18  }
0x4f: {  	s5 =	sand.u32 $0x1, s24;
	s20 =	simm.s32 $0x51C8;
	[smem:$0x7F6] =	sst s19  }
0x50: {  	s7 =	sshll.u32 s6, $0x1;
	s21 =	simm.s32 $0x5218;
	[smem:$0x7F7] =	sst s20  }
0x51: {  	s8 =	simm.s32 $0x5000;
	s22 =	simm.s32 $0x5268;
	[smem:$0x7F8] =	sst s21  }
0x52: {  	s23 =	simm.s32 $0x52B8;
	s24 =	simm.s32 $0x5308;
	[smem:$0x7F9] =	sst s22  }
0x53: {  	s25 =	simm.s32 $0x5040;
	s26 =	simm.s32 $0x5090;
	[smem:$0x7FA] =	sst s23  }
0x54: {  	s9 =	simm.s32 $0x0;
	s4 =	sor.u32 s5, s7;
	[smem:$0x7FB] =	sst s24  }
0x55: {  	s5 =	ssub.s32 $0x2, s5;
	s11 =	simm.s32 $0x3;
	[smem:$0x7FC] =	sst s25  }
0x56: {  	s12 =	simm.s32 $0x1;
	s13 =	simm.s32 $0x2800;
	[smem:$0x7FD] =	sst s26  }
0x57: {  	s14 =	simm.s32 $0x50E0;
	s15 =	simm.s32 $0x5130;
	s16 =	simm.s32 $0x5180  }
0x58: {  	s17 =	simm.s32 $0x51D0;
	s18 =	simm.s32 $0x5220;
	s19 =	simm.s32 $0x5270  }
0x59: {  	s20 =	simm.s32 $0x52C0;
	s21 =	simm.s32 $0x5310;
	s22 =	simm.s32 $0x5048  }
0x5a: {  	s23 =	simm.s32 $0x5098;
	s24 =	simm.s32 $0x50E8;
	s10 =	smul.u32 $0x500, s4  }
0x5b: {  	s25 =	simm.s32 $0x5138;
	s26 =	simm.s32 $0x5188;
	s7 =	sshrl.u32 s5, $0x1  }
0x5c: {  	s7 =	ssub.s32 s5, s7;
	s2 =	sadd.s32 s10, s2;
	s0 =	sadd.s32 s0, s10  }
0x5d: {  	v0 =	vlaneseq.u32;
	s7 =	smax.u32 s7, $0x1;
	[smem:$0x7F2] =	sst s0;
	s2 =	sadd.s32 $0x1400, s2  }
0x5e: {  	v1 =	vimm.s32 $0x0;
	v0 =	vmul.u32 $0xA, v0;
	s10 =	simm.s32 $0x2;
	s0 =	simm.s32 $0x5318;
	[smem:$0x7F4] =	sst s2  }
.LBB2_1:
0x5f: {  	s2 =	sld [smem:$0x7F2];
	_ =	sdelay $0x1  }
0x60: {  	s5 =	sld [smem:$0x7E4]  }
0x61: {  	[tilespmem:s1], [sflag:$0x1] =	stream.linear.gather [hbm4b:s2+s1], $0x2800, $0x38;
	[tilespmem:$0x5400] =	vst v63  }
0x62: {  	s6 =	sld [smem:$0x7EC]  }
0x63: {  	[tilespmem:s8], [sflag:$0x2] =	stream.linear.gather [hbm4b:s5+s1], $0x380, $0x38;
	[tilespmem:$0x5400] =	vst v63  }
0x64: {  	s4 =	simm.s32 $0x5380  }
0x65: {  	[tilespmem:s4], [sflag:$0x3] =	stream.linear.gather [hbm4b:s6+s1], $0x80, $0x38;
	[tilespmem:$0x5400] =	vst v63  }
0x66: {  	_ =	swait.ge [sflag:s10], $0x380  }
0x67: {  	[sflag:s10] =	ssyncset.done $0x0  }
0x68: {  	[sflag:s10] =	ssyncadd.s32 $0xFFFFFC80  }
0x69: {  	_ =	swait.ge [sflag:s11], $0x80  }
0x6a: {  	[sflag:s11] =	ssyncset.done $0x0  }
0x6b: {  	[sflag:s11] =	ssyncadd.s32 $0xFFFFFF80  }
0x6c: {  	_ =	swait.ge [sflag:s12], $0x2800  }
0x6d: {  	[sflag:s12] =	ssyncset.done $0x0  }
0x6e: {  	[sflag:s12] =	ssyncadd.s32 $0xFFFFD800  }
0x6f: {  	v22 =	vld [tilespmem:$0x5380]  }
0x70: {  	v23 =	vld [tilespmem:$0x5390];
	_ =	sdelay $0x3  }
0x71: {  	v2 =	vbroadcast v22, $0x0;
	v3 =	vbroadcast v22, $0xA  }
0x72: {  	v4 =	vbroadcast v23, $0x0;
	v5 =	vbroadcast v23, $0xA  }
0x73: {  	v6 =	vbroadcast v22, $0x1;
	v7 =	vbroadcast v23, $0x1  }
0x74: {  	v8 =	vbroadcast v22, $0x2;
	v9 =	vbroadcast v23, $0x2  }
0x75: {  	v10 =	vbroadcast v22, $0x3;
	v11 =	vbroadcast v23, $0x3  }
0x76: {  	v12 =	vbroadcast v22, $0x4;
	v13 =	vbroadcast v23, $0x4  }
0x77: {  	v33 =	vld [tilespmem:$0x53A0];
	v14 =	vbroadcast v22, $0x5;
	v15 =	vbroadcast v23, $0x5  }
0x78: {  	v16 =	vbroadcast v22, $0x6;
	v17 =	vbroadcast v23, $0x6  }
0x79: {  	v18 =	vbroadcast v22, $0x7;
	v19 =	vbroadcast v23, $0x7  }
0x7a: {  	v20 =	vbroadcast v22, $0x8;
	v21 =	vbroadcast v23, $0x8  }
0x7b: {  	v22 =	vbroadcast v22, $0x9;
	v23 =	vbroadcast v23, $0x9  }
0x7c: {  	v24 =	vbroadcast v33, $0x0;
	v25 =	vbroadcast v33, $0x1  }
0x7d: {  	v26 =	vbroadcast v33, $0x2;
	v27 =	vbroadcast v33, $0x3  }
0x7e: {  	v28 =	vbroadcast v33, $0x4;
	v29 =	vbroadcast v33, $0x5  }
0x7f: {  	v30 =	vbroadcast v33, $0x6;
	v31 =	vbroadcast v33, $0x7  }
0x80: {  	s2 =	simm.s32 $0x9;
	v32 =	vbroadcast v33, $0x8;
	v33 =	vbroadcast v33, $0x9  }
.LBB2_2:
0x81: {  	s4 =	sadd.s32 $0xFFFFFFF7, s2  }
0x82: {  	s5 =	sadd.s32 $0xFFFFFFF8, s2;
	v55 =	vadd.s32 s4, v0  }
0x83: {  	s6 =	sadd.s32 $0xFFFFFFF9, s2;
	v54 =	vadd.s32 s5, v0  }
0x84: {  	v53 =	vadd.s32 s6, v0;
	s5 =	sadd.s32 $0xFFFFFFFA, s2  }
0x85: {  	s6 =	sadd.s32 $0xFFFFFFFB, s2;
	v52 =	vadd.s32 s5, v0  }
0x86: {  	v51 =	vadd.s32 s6, v0  }
0x87: {  	v35 =	vld.idx.msk [tilespmem:v55+s1+$0x0], $0xffff  }
0x88: {  	v36 =	vld.idx.msk [tilespmem:v54+s1+$0x0], $0xffff  }
0x89: {  	v37 =	vld.idx.msk [tilespmem:v53+s1+$0x0], $0xffff  }
0x8a: {  	v38 =	vld.idx.msk [tilespmem:v52+s1+$0x0], $0xffff  }
0x8b: {  	s5 =	sadd.s32 $0xFFFFFFFC, s2;
	s6 =	sadd.s32 $0xFFFFFFFD, s2;
	v39 =	vld.idx.msk [tilespmem:v51+s1+$0x0], $0xffff  }
0x8c: {  	v49 =	vadd.s32 s5, v0;
	s5 =	sadd.s32 $0xFFFFFFFE, s2;
	v47 =	vadd.s32 s6, v0;
	s6 =	sadd.s32 $0xFFFFFFFF, s2  }
0x8d: {  	v45 =	vadd.s32 s5, v0;
	v42 =	vadd.s32 s6, v0  }
0x8e: {  	v34 =	vshrl.u32 v35, $0x10;
	v41 =	vshrl.u32 v36, $0x10;
	v44 =	vshrl.u32 v37, $0x10  }
0x8f: {  	v40 =	vand.u32 $0x1, v34;
	v34 =	vadd.s32 s2, v0;
	v41 =	vand.u32 $0x1, v41  }
0x90: {  	v44 =	vand.u32 $0x1, v44;
	v60 =	vshrl.u32 v38, $0x10;
	v50 =	vshrl.u32 v39, $0x10  }
0x91: {  	v43 =	vadd.s32 v40, v35;
	v40 =	vld.idx.msk [tilespmem:v49+s1+$0x0], $0xffff;
	v41 =	vadd.s32 v41, v36;
	v59 =	vadd.s32 v44, v37  }
0x92: {  	v44 =	vand.u32 $0x1, v60;
	v62 =	vand.u32 $0x1, v50;
	v58 =	vadd.s32 $0x7FFF, v41;
	v41 =	vld.idx.msk [tilespmem:v47+s1+$0x0], $0xffff  }
0x93: {  	v43 =	vadd.s32 $0x7FFF, v43;
	v61 =	vadd.s32 v44, v38;
	v44 =	vadd.s32 v62, v39  }
0x94: {  	v46 =	vand.u32 $0xFFFF0000, v43;
	v48 =	vand.u32 $0xFFFF0000, v58;
	v43 =	vadd.s32 $0x7FFF, v59  }
0x95: {  	v44 =	vadd.s32 $0x7FFF, v44;
	v56 =	vand.u32 $0xFFFF0000, v43;
	v43 =	vadd.s32 $0x7FFF, v61  }
0x96: {  	v59 =	vmul.f32 v46, v2;
	v57 =	vand.u32 $0xFFFF0000, v43;
	v43 =	vld.idx.msk [tilespmem:v45+s1+$0x0], $0xffff;
	v63 =	vshrl.u32 v40, $0x10  }
0x97: {  	v46 =	vmul.f32 v46, v4;
	v50 =	vand.u32 $0x1, v63;
	v61 =	vshrl.u32 v41, $0x10  }
0x98: {  	v58 =	vand.u32 $0xFFFF0000, v44;
	v60 =	vadd.s32 v50, v40;
	v50 =	vand.u32 $0x1, v61  }
0x99: {  	v46 =	vadd.f32 v46, v5;
	v44 =	vadd.s32 $0x7FFF, v60;
	v62 =	vadd.s32 v50, v41  }
0x9a: {  	v50 =	vadd.f32 v59, v3;
	v59 =	vmul.f32 v48, v6;
	v48 =	vmul.f32 v48, v7  }
0x9b: {  	v60 =	vand.u32 $0xFFFF0000, v44;
	v44 =	vadd.s32 $0x7FFF, v62;
	v62 =	vshrl.u32 v43, $0x10  }
0x9c: {  	v61 =	vand.u32 $0xFFFF0000, v44;
	v44 =	vld.idx.msk [tilespmem:v42+s1+$0x0], $0xffff;
	v50 =	vadd.f32 v59, v50;
	v59 =	vmul.f32 v56, v8  }
0x9d: {  	v62 =	vand.u32 $0x1, v62;
	v46 =	vadd.f32 v48, v46;
	v48 =	vmul.f32 v56, v9  }
0x9e: {  	v63 =	vadd.s32 v62, v43;
	v62 =	vmul.f32 v57, v10;
	v50 =	vadd.f32 v59, v50  }
0x9f: {  	v57 =	vmul.f32 v57, v11;
	v48 =	vadd.f32 v48, v46  }
0xa0: {  	v56 =	vadd.s32 $0x7FFF, v63;
	v59 =	vmul.f32 v58, v12;
	v46 =	vld.idx.msk [tilespmem:v34+s1+$0x0], $0xffff;
	v50 =	vadd.f32 v62, v50  }
0xa1: {  	v48 =	vadd.f32 v57, v48;
	v57 =	vmul.f32 v58, v13;
	v62 =	vshrl.u32 v44, $0x10  }
0xa2: {  	v56 =	vand.u32 $0xFFFF0000, v56;
	v63 =	vand.u32 $0x1, v62  }
0xa3: {  	v50 =	vadd.f32 v59, v50;
	v62 =	vmul.f32 v60, v14;
	v48 =	vadd.f32 v57, v48  }
0xa4: {  	v59 =	vmul.f32 v61, v16;
	v58 =	vadd.s32 v63, v44;
	v63 =	vmul.f32 v60, v15  }
0xa5: {  	v57 =	vmul.f32 v61, v17;
	v60 =	vshrl.u32 v46, $0x10;
	v50 =	vadd.f32 v62, v50  }
0xa6: {  	v58 =	vadd.s32 $0x7FFF, v58;
	v60 =	vand.u32 $0x1, v60;
	v48 =	vadd.f32 v63, v48  }
0xa7: {  	v58 =	vand.u32 $0xFFFF0000, v58;
	v60 =	vadd.s32 v60, v46;
	v50 =	vadd.f32 v59, v50  }
0xa8: {  	v59 =	vmul.f32 v56, v18;
	v56 =	vmul.f32 v56, v19;
	v48 =	vadd.f32 v57, v48  }
0xa9: {  	v61 =	vmul.f32 v58, v20;
	v62 =	vmul.f32 v58, v21;
	v57 =	vadd.s32 $0x7FFF, v60  }
0xaa: {  	v50 =	vadd.f32 v59, v50;
	v57 =	vand.u32 $0xFFFF0000, v57;
	v48 =	vadd.f32 v56, v48  }
0xab: {  	v63 =	vmul.f32 v57, v22  }
0xac: {  	v57 =	vmul.f32 v57, v23;
	v50 =	vadd.f32 v61, v50;
	v48 =	vadd.f32 v62, v48;
	_ =	sdelay $0x1  }
0xad: {  	v50 =	vadd.f32 v63, v50;
	v48 =	vadd.f32 v57, v48;
	_ =	sdelay $0x1  }
0xae: {  	v48 =	vsub.f32 v48, v50;
	_ =	sdelay $0x1  }
0xaf: {  	v50 =	vand.u32 $0x7FFFFFFF, v48  }
0xb0: {  	vm0 =	vgt.f32 v48, $0.0e+00;
	v50 =	vsub.f32 $0.0e+00, v50  }
0xb1: {  	v48 =	vsel vm0, $0x1, v1  }
0xb2: {  	v50 =	vmul.f32 $1.442695020e+00, v50;
	_ =	sdelay $0x1  }
0xb3: {  	(erf) = vpow2.f32 v50;
	_ =	sdelay $0x1  }
0xb4: {  	s4 =	rddreg [dreg:$0x3];
	v50 =	vld.idx.msk [tilespmem:v48+s8+$0x0], $0xffff  }
0xb5: {  	s5 =	rddreg [dreg:$0x4];
	v56 =	vld.idx.msk [tilespmem:v48+s4+$0x0], $0xffff  }
0xb6: {  	s6 =	rddreg [dreg:$0x5];
	v57 =	vld.idx.msk [tilespmem:v48+s5+$0x0], $0xffff  }
0xb7: {  	s4 =	rddreg [dreg:$0x6];
	v58 =	vld.idx.msk [tilespmem:v48+s6+$0x0], $0xffff  }
0xb8: {  	s5 =	rddreg [dreg:$0x7];
	v59 =	vld.idx.msk [tilespmem:v48+s4+$0x0], $0xffff  }
0xb9: {  	s6 =	rddreg [dreg:$0x8];
	v60 =	vld.idx.msk [tilespmem:v48+s5+$0x0], $0xffff  }
0xba: {  	s4 =	rddreg [dreg:$0x9];
	v61 =	vld.idx.msk [tilespmem:v48+s6+$0x0], $0xffff  }
0xbb: {  	s5 =	rddreg [dreg:$0xa];
	v63 =	vld.idx.msk [tilespmem:v48+s4+$0x0], $0xffff;
	v50 =	vmul.f32 v50, v35;
	v57 =	vmul.f32 v57, v37;
	v62 =	vpop (erf)  }
0xbc: {  	s6 =	rddreg [dreg:$0xb];
	v1 =	vld.idx.msk [tilespmem:v48+s5+$0x0], $0xffff;
	v56 =	vmul.f32 v56, v36;
	v58 =	vmul.f32 v58, v38;
	v62 =	vadd.f32 $1.000000000e+00, v62  }
0xbd: {  	v50 =	vadd.f32 v57, v50;
	v57 =	vmul.f32 v59, v39;
	v59 =	vld.idx.msk [tilespmem:v48+s6+$0x0], $0xffff  }
0xbe: {  	v60 =	vmul.f32 v60, v40;
	v56 =	vadd.f32 v58, v56;
	(erf) = vrcp.f32 v62  }
0xbf: {  	v50 =	vadd.f32 v57, v50  }
0xc0: {  	v56 =	vadd.f32 v60, v56;
	v60 =	vmul.f32 v63, v43;
	v62 =	vmul.f32 v61, v41  }
0xc1: {  	v1 =	vmul.f32 v1, v44  }
0xc2: {  	v56 =	vadd.f32 v60, v56;
	v61 =	vmul.f32 v59, v46;
	v50 =	vadd.f32 v62, v50;
	_ =	sdelay $0x1  }
0xc3: {  	v62 =	vadd.f32 v61, v56;
	v1 =	vadd.f32 v1, v50;
	_ =	sdelay $0x1  }
0xc4: {  	v1 =	vadd.f32 v62, v1  }
0xc5: {  	v50 =	vpop (erf)  }
0xc6: {  	v1 =	vmul.f32 v50, v1;
	_ =	sdelay $0x1  }
0xc7: {  	v1 =	vadd.f32 v1, v24;
	_ =	sdelay $0x1  }
0xc8: {  	s4 =	rddreg [dreg:$0xc];
	[tilespmem:v55+s13+$0x0] =	vst.idx.msk $0xffff, v1  }
0xc9: {  	s5 =	rddreg [dreg:$0xd];
	v1 =	vld.idx.msk [tilespmem:v48+s4+$0x0], $0xffff  }
0xca: {  	s6 =	rddreg [dreg:$0xe];
	v55 =	vld.idx.msk [tilespmem:v48+s5+$0x0], $0xffff  }
0xcb: {  	s4 =	rddreg [dreg:$0xf];
	v56 =	vld.idx.msk [tilespmem:v48+s6+$0x0], $0xffff  }
0xcc: {  	s5 =	rddreg [dreg:$0x10];
	v57 =	vld.idx.msk [tilespmem:v48+s4+$0x0], $0xffff  }
0xcd: {  	s6 =	rddreg [dreg:$0x11];
	v58 =	vld.idx.msk [tilespmem:v48+s5+$0x0], $0xffff  }
0xce: {  	s4 =	rddreg [dreg:$0x12];
	v59 =	vld.idx.msk [tilespmem:v48+s6+$0x0], $0xffff  }
0xcf: {  	s5 =	rddreg [dreg:$0x13];
	v60 =	vld.idx.msk [tilespmem:v48+s4+$0x0], $0xffff  }
0xd0: {  	s6 =	rddreg [dreg:$0x14];
	v61 =	vld.idx.msk [tilespmem:v48+s5+$0x0], $0xffff;
	v1 =	vmul.f32 v1, v35;
	v56 =	vmul.f32 v56, v37  }
0xd1: {  	s4 =	rddreg [dreg:$0x15];
	v62 =	vld.idx.msk [tilespmem:v48+s6+$0x0], $0xffff;
	v55 =	vmul.f32 v55, v36;
	v57 =	vmul.f32 v57, v38  }
0xd2: {  	v1 =	vadd.f32 v56, v1;
	v56 =	vmul.f32 v58, v39;
	v58 =	vld.idx.msk [tilespmem:v48+s4+$0x0], $0xffff  }
0xd3: {  	v63 =	vmul.f32 v59, v40;
	v55 =	vadd.f32 v57, v55  }
0xd4: {  	v60 =	vmul.f32 v60, v41;
	v1 =	vadd.f32 v56, v1  }
0xd5: {  	v55 =	vadd.f32 v63, v55;
	v63 =	vmul.f32 v61, v43  }
0xd6: {  	v1 =	vadd.f32 v60, v1  }
0xd7: {  	v60 =	vmul.f32 v62, v44;
	v55 =	vadd.f32 v63, v55;
	v61 =	vmul.f32 v58, v46;
	_ =	sdelay $0x1  }
0xd8: {  	v1 =	vadd.f32 v60, v1;
	v55 =	vadd.f32 v61, v55;
	_ =	sdelay $0x1  }
0xd9: {  	v1 =	vadd.f32 v55, v1;
	_ =	sdelay $0x1  }
0xda: {  	v1 =	vmul.f32 v1, v50;
	_ =	sdelay $0x1  }
0xdb: {  	v1 =	vadd.f32 v1, v25;
	_ =	sdelay $0x1  }
0xdc: {  	s4 =	rddreg [dreg:$0x16];
	[tilespmem:v54+s13+$0x0] =	vst.idx.msk $0xffff, v1  }
0xdd: {  	s5 =	rddreg [dreg:$0x17];
	v1 =	vld.idx.msk [tilespmem:v48+s4+$0x0], $0xffff  }
0xde: {  	s6 =	rddreg [dreg:$0x18];
	v54 =	vld.idx.msk [tilespmem:v48+s5+$0x0], $0xffff  }
0xdf: {  	s4 =	rddreg [dreg:$0x19];
	v62 =	vld.idx.msk [tilespmem:v48+s6+$0x0], $0xffff  }
0xe0: {  	s5 =	rddreg [dreg:$0x1a];
	v56 =	vld.idx.msk [tilespmem:v48+s4+$0x0], $0xffff  }
0xe1: {  	s6 =	rddreg [dreg:$0x1b];
	v57 =	vld.idx.msk [tilespmem:v48+s5+$0x0], $0xffff  }
0xe2: {  	s4 =	rddreg [dreg:$0x1c];
	v58 =	vld.idx.msk [tilespmem:v48+s6+$0x0], $0xffff  }
0xe3: {  	s5 =	rddreg [dreg:$0x1d];
	v59 =	vld.idx.msk [tilespmem:v48+s4+$0x0], $0xffff  }
0xe4: {  	s6 =	rddreg [dreg:$0x1e];
	v60 =	vld.idx.msk [tilespmem:v48+s5+$0x0], $0xffff;
	v1 =	vmul.f32 v1, v35;
	v55 =	vmul.f32 v62, v37  }
0xe5: {  	s4 =	rddreg [dreg:$0x1f];
	v61 =	vld.idx.msk [tilespmem:v48+s6+$0x0], $0xffff;
	v54 =	vmul.f32 v54, v36;
	v56 =	vmul.f32 v56, v38  }
0xe6: {  	v63 =	vmul.f32 v57, v39;
	v57 =	vld.idx.msk [tilespmem:v48+s4+$0x0], $0xffff;
	v1 =	vadd.f32 v55, v1  }
0xe7: {  	v62 =	vmul.f32 v58, v40;
	v54 =	vadd.f32 v56, v54  }
0xe8: {  	v1 =	vadd.f32 v63, v1;
	v63 =	vmul.f32 v59, v41  }
0xe9: {  	v54 =	vadd.f32 v62, v54;
	v62 =	vmul.f32 v60, v43  }
0xea: {  	v1 =	vadd.f32 v63, v1  }
0xeb: {  	v63 =	vmul.f32 v61, v44;
	v60 =	vmul.f32 v57, v46;
	v54 =	vadd.f32 v62, v54;
	_ =	sdelay $0x1  }
0xec: {  	v1 =	vadd.f32 v63, v1;
	v54 =	vadd.f32 v60, v54;
	_ =	sdelay $0x1  }
0xed: {  	v1 =	vadd.f32 v54, v1;
	_ =	sdelay $0x1  }
0xee: {  	v1 =	vmul.f32 v1, v50;
	_ =	sdelay $0x1  }
0xef: {  	s4 =	sld [smem:$0x7C6];
	v1 =	vadd.f32 v1, v26  }
0xf0: {  	s5 =	sld [smem:$0x7C7]  }
0xf1: {  	s6 =	sld [smem:$0x7C8];
	[tilespmem:v53+s13+$0x0] =	vst.idx.msk $0xffff, v1  }
0xf2: {  	v1 =	vld.idx.msk [tilespmem:v48+s4+$0x0], $0xffff;
	s4 =	sld [smem:$0x7C9]  }
0xf3: {  	v53 =	vld.idx.msk [tilespmem:v48+s5+$0x0], $0xffff;
	s5 =	sld [smem:$0x7CA]  }
0xf4: {  	v61 =	vld.idx.msk [tilespmem:v48+s6+$0x0], $0xffff;
	s6 =	sld [smem:$0x7CB]  }
0xf5: {  	v62 =	vld.idx.msk [tilespmem:v48+s4+$0x0], $0xffff;
	s4 =	sld [smem:$0x7CC]  }
0xf6: {  	v56 =	vld.idx.msk [tilespmem:v48+s5+$0x0], $0xffff;
	s5 =	sld [smem:$0x7CD]  }
0xf7: {  	v57 =	vld.idx.msk [tilespmem:v48+s6+$0x0], $0xffff;
	s6 =	sld [smem:$0x7CE]  }
0xf8: {  	v58 =	vld.idx.msk [tilespmem:v48+s4+$0x0], $0xffff;
	s4 =	sld [smem:$0x7CF]  }
0xf9: {  	v1 =	vmul.f32 v1, v35;
	v54 =	vmul.f32 v61, v37;
	v59 =	vld.idx.msk [tilespmem:v48+s5+$0x0], $0xffff  }
0xfa: {  	v53 =	vmul.f32 v53, v36;
	v60 =	vld.idx.msk [tilespmem:v48+s6+$0x0], $0xffff;
	v55 =	vmul.f32 v62, v38  }
0xfb: {  	v1 =	vadd.f32 v54, v1;
	v63 =	vmul.f32 v56, v39;
	v61 =	vld.idx.msk [tilespmem:v48+s4+$0x0], $0xffff  }
0xfc: {  	v62 =	vmul.f32 v57, v40;
	v53 =	vadd.f32 v55, v53  }
0xfd: {  	v1 =	vadd.f32 v63, v1  }
0xfe: {  	v63 =	vmul.f32 v58, v41;
	v57 =	vmul.f32 v59, v43;
	v53 =	vadd.f32 v62, v53  }
0xff: {  	v58 =	vmul.f32 v60, v44  }
0x100: {  	v1 =	vadd.f32 v63, v1;
	v53 =	vadd.f32 v57, v53;
	v59 =	vmul.f32 v61, v46;
	_ =	sdelay $0x1  }
0x101: {  	v1 =	vadd.f32 v58, v1;
	v53 =	vadd.f32 v59, v53;
	_ =	sdelay $0x1  }
0x102: {  	v1 =	vadd.f32 v53, v1;
	_ =	sdelay $0x1  }
0x103: {  	v1 =	vmul.f32 v1, v50;
	_ =	sdelay $0x1  }
0x104: {  	s4 =	sld [smem:$0x7D0];
	v1 =	vadd.f32 v1, v27  }
0x105: {  	s5 =	sld [smem:$0x7D1]  }
0x106: {  	s6 =	sld [smem:$0x7D2];
	[tilespmem:v52+s13+$0x0] =	vst.idx.msk $0xffff, v1  }
0x107: {  	v1 =	vld.idx.msk [tilespmem:v48+s4+$0x0], $0xffff;
	s4 =	sld [smem:$0x7D3]  }
0x108: {  	v52 =	vld.idx.msk [tilespmem:v48+s5+$0x0], $0xffff;
	s5 =	sld [smem:$0x7D4]  }
0x109: {  	v53 =	vld.idx.msk [tilespmem:v48+s6+$0x0], $0xffff;
	s6 =	sld [smem:$0x7D5]  }
0x10a: {  	v60 =	vld.idx.msk [tilespmem:v48+s4+$0x0], $0xffff;
	s4 =	sld [smem:$0x7D6]  }
0x10b: {  	v61 =	vld.idx.msk [tilespmem:v48+s5+$0x0], $0xffff;
	s5 =	sld [smem:$0x7D7]  }
0x10c: {  	v62 =	vld.idx.msk [tilespmem:v48+s6+$0x0], $0xffff;
	s6 =	sld [smem:$0x7D8]  }
0x10d: {  	v63 =	vld.idx.msk [tilespmem:v48+s4+$0x0], $0xffff;
	s4 =	sld [smem:$0x7D9]  }
0x10e: {  	v1 =	vmul.f32 v1, v35;
	v53 =	vmul.f32 v53, v37;
	v58 =	vld.idx.msk [tilespmem:v48+s5+$0x0], $0xffff  }
0x10f: {  	v52 =	vmul.f32 v52, v36;
	v59 =	vld.idx.msk [tilespmem:v48+s6+$0x0], $0xffff;
	v54 =	vmul.f32 v60, v38  }
0x110: {  	v1 =	vadd.f32 v53, v1;
	v60 =	vmul.f32 v61, v39;
	v61 =	vld.idx.msk [tilespmem:v48+s4+$0x0], $0xffff  }
0x111: {  	v62 =	vmul.f32 v62, v40;
	v52 =	vadd.f32 v54, v52  }
0x112: {  	v1 =	vadd.f32 v60, v1  }
0x113: {  	v63 =	vmul.f32 v63, v41;
	v57 =	vmul.f32 v58, v43;
	v52 =	vadd.f32 v62, v52  }
0x114: {  	v58 =	vmul.f32 v59, v44  }
0x115: {  	v1 =	vadd.f32 v63, v1;
	v52 =	vadd.f32 v57, v52;
	v59 =	vmul.f32 v61, v46;
	_ =	sdelay $0x1  }
0x116: {  	v1 =	vadd.f32 v58, v1;
	v52 =	vadd.f32 v59, v52;
	_ =	sdelay $0x1  }
0x117: {  	v1 =	vadd.f32 v52, v1;
	_ =	sdelay $0x1  }
0x118: {  	v1 =	vmul.f32 v1, v50;
	_ =	sdelay $0x1  }
0x119: {  	s4 =	sld [smem:$0x7DA];
	v1 =	vadd.f32 v1, v28  }
0x11a: {  	s5 =	sld [smem:$0x7DB]  }
0x11b: {  	s6 =	sld [smem:$0x7DC];
	[tilespmem:v51+s13+$0x0] =	vst.idx.msk $0xffff, v1  }
0x11c: {  	v1 =	vld.idx.msk [tilespmem:v48+s4+$0x0], $0xffff;
	s4 =	sld [smem:$0x7DD]  }
0x11d: {  	v51 =	vld.idx.msk [tilespmem:v48+s5+$0x0], $0xffff;
	s5 =	sld [smem:$0x7DE]  }
0x11e: {  	v52 =	vld.idx.msk [tilespmem:v48+s6+$0x0], $0xffff;
	s6 =	sld [smem:$0x7DF]  }
0x11f: {  	v60 =	vld.idx.msk [tilespmem:v48+s4+$0x0], $0xffff;
	s4 =	sld [smem:$0x7E0]  }
0x120: {  	v61 =	vld.idx.msk [tilespmem:v48+s5+$0x0], $0xffff;
	s5 =	sld [smem:$0x7E1]  }
0x121: {  	v62 =	vld.idx.msk [tilespmem:v48+s6+$0x0], $0xffff;
	s6 =	sld [smem:$0x7E2]  }
0x122: {  	v63 =	vld.idx.msk [tilespmem:v48+s4+$0x0], $0xffff;
	s4 =	sld [smem:$0x7E3]  }
0x123: {  	v1 =	vmul.f32 v1, v35;
	v52 =	vmul.f32 v52, v37;
	v57 =	vld.idx.msk [tilespmem:v48+s5+$0x0], $0xffff  }
0x124: {  	v51 =	vmul.f32 v51, v36;
	v58 =	vld.idx.msk [tilespmem:v48+s6+$0x0], $0xffff;
	v53 =	vmul.f32 v60, v38  }
0x125: {  	v1 =	vadd.f32 v52, v1;
	v60 =	vmul.f32 v61, v39;
	v61 =	vld.idx.msk [tilespmem:v48+s4+$0x0], $0xffff  }
0x126: {  	v62 =	vmul.f32 v62, v40;
	v51 =	vadd.f32 v53, v51  }
0x127: {  	v1 =	vadd.f32 v60, v1  }
0x128: {  	v63 =	vmul.f32 v63, v41;
	v56 =	vmul.f32 v57, v43;
	v51 =	vadd.f32 v62, v51  }
0x129: {  	v57 =	vmul.f32 v58, v44  }
0x12a: {  	v1 =	vadd.f32 v63, v1;
	v51 =	vadd.f32 v56, v51;
	v58 =	vmul.f32 v61, v46;
	_ =	sdelay $0x1  }
0x12b: {  	v1 =	vadd.f32 v57, v1;
	v51 =	vadd.f32 v58, v51;
	_ =	sdelay $0x1  }
0x12c: {  	v1 =	vadd.f32 v51, v1;
	_ =	sdelay $0x1  }
0x12d: {  	v1 =	vmul.f32 v1, v50;
	_ =	sdelay $0x1  }
0x12e: {  	s4 =	sld [smem:$0x7E5];
	v1 =	vadd.f32 v1, v29  }
0x12f: {  	s5 =	sld [smem:$0x7E6]  }
0x130: {  	s6 =	sld [smem:$0x7E7];
	[tilespmem:v49+s13+$0x0] =	vst.idx.msk $0xffff, v1  }
0x131: {  	v1 =	vld.idx.msk [tilespmem:v48+s4+$0x0], $0xffff;
	s4 =	sld [smem:$0x7E8]  }
0x132: {  	v49 =	vld.idx.msk [tilespmem:v48+s5+$0x0], $0xffff;
	s5 =	sld [smem:$0x7E9]  }
0x133: {  	v59 =	vld.idx.msk [tilespmem:v48+s6+$0x0], $0xffff;
	s6 =	sld [smem:$0x7EA]  }
0x134: {  	v60 =	vld.idx.msk [tilespmem:v48+s4+$0x0], $0xffff;
	s4 =	sld [smem:$0x7EB]  }
0x135: {  	v61 =	vld.idx.msk [tilespmem:v48+s5+$0x0], $0xffff;
	s5 =	sld [smem:$0x7ED]  }
0x136: {  	v62 =	vld.idx.msk [tilespmem:v48+s6+$0x0], $0xffff;
	s6 =	sld [smem:$0x7EE]  }
0x137: {  	v63 =	vld.idx.msk [tilespmem:v48+s4+$0x0], $0xffff;
	s4 =	sld [smem:$0x7EF]  }
0x138: {  	v1 =	vmul.f32 v1, v35;
	v51 =	vmul.f32 v59, v37;
	v56 =	vld.idx.msk [tilespmem:v48+s5+$0x0], $0xffff  }
0x139: {  	v49 =	vmul.f32 v49, v36;
	v57 =	vld.idx.msk [tilespmem:v48+s6+$0x0], $0xffff;
	v52 =	vmul.f32 v60, v38  }
0x13a: {  	v1 =	vadd.f32 v51, v1;
	v60 =	vmul.f32 v61, v39;
	v61 =	vld.idx.msk [tilespmem:v48+s4+$0x0], $0xffff  }
0x13b: {  	v62 =	vmul.f32 v62, v40;
	v49 =	vadd.f32 v52, v49  }
0x13c: {  	v1 =	vadd.f32 v60, v1  }
0x13d: {  	v63 =	vmul.f32 v63, v41;
	v58 =	vmul.f32 v56, v43;
	v49 =	vadd.f32 v62, v49  }
0x13e: {  	v59 =	vmul.f32 v57, v44  }
0x13f: {  	v1 =	vadd.f32 v63, v1;
	v49 =	vadd.f32 v58, v49;
	v60 =	vmul.f32 v61, v46;
	_ =	sdelay $0x1  }
0x140: {  	v1 =	vadd.f32 v59, v1;
	v49 =	vadd.f32 v60, v49;
	_ =	sdelay $0x1  }
0x141: {  	v1 =	vadd.f32 v49, v1;
	_ =	sdelay $0x1  }
0x142: {  	v1 =	vmul.f32 v1, v50;
	_ =	sdelay $0x1  }
0x143: {  	s4 =	sld [smem:$0x7F0];
	v1 =	vadd.f32 v1, v30  }
0x144: {  	s5 =	sld [smem:$0x7F1]  }
0x145: {  	s6 =	sld [smem:$0x7F3];
	[tilespmem:v47+s13+$0x0] =	vst.idx.msk $0xffff, v1  }
0x146: {  	v1 =	vld.idx.msk [tilespmem:v48+s4+$0x0], $0xffff;
	s4 =	sld [smem:$0x7F5]  }
0x147: {  	v47 =	vld.idx.msk [tilespmem:v48+s5+$0x0], $0xffff;
	s5 =	sld [smem:$0x7F6]  }
0x148: {  	v61 =	vld.idx.msk [tilespmem:v48+s6+$0x0], $0xffff;
	s6 =	sld [smem:$0x7F7]  }
0x149: {  	v62 =	vld.idx.msk [tilespmem:v48+s4+$0x0], $0xffff;
	s4 =	sld [smem:$0x7F8]  }
0x14a: {  	v63 =	vld.idx.msk [tilespmem:v48+s5+$0x0], $0xffff;
	s5 =	sld [smem:$0x7F9]  }
0x14b: {  	v53 =	vld.idx.msk [tilespmem:v48+s6+$0x0], $0xffff;
	s6 =	sld [smem:$0x7FA]  }
0x14c: {  	v54 =	vld.idx.msk [tilespmem:v48+s4+$0x0], $0xffff;
	s4 =	sld [smem:$0x7FB]  }
0x14d: {  	v1 =	vmul.f32 v1, v35;
	v49 =	vmul.f32 v61, v37;
	v60 =	vld.idx.msk [tilespmem:v48+s5+$0x0], $0xffff  }
0x14e: {  	v47 =	vmul.f32 v47, v36;
	v61 =	vld.idx.msk [tilespmem:v48+s6+$0x0], $0xffff;
	v51 =	vmul.f32 v62, v38  }
0x14f: {  	v1 =	vadd.f32 v49, v1;
	v62 =	vmul.f32 v63, v39;
	v63 =	vld.idx.msk [tilespmem:v48+s4+$0x0], $0xffff  }
0x150: {  	v57 =	vmul.f32 v53, v40;
	v47 =	vadd.f32 v51, v47  }
0x151: {  	v1 =	vadd.f32 v62, v1  }
0x152: {  	v58 =	vmul.f32 v54, v41;
	v59 =	vmul.f32 v60, v43;
	v47 =	vadd.f32 v57, v47  }
0x153: {  	v60 =	vmul.f32 v61, v44  }
0x154: {  	v1 =	vadd.f32 v58, v1;
	v47 =	vadd.f32 v59, v47;
	v61 =	vmul.f32 v63, v46;
	_ =	sdelay $0x1  }
0x155: {  	v1 =	vadd.f32 v60, v1;
	v47 =	vadd.f32 v61, v47;
	_ =	sdelay $0x1  }
0x156: {  	v1 =	vadd.f32 v47, v1;
	_ =	sdelay $0x1  }
0x157: {  	v1 =	vmul.f32 v1, v50;
	_ =	sdelay $0x1  }
0x158: {  	s5 =	sld [smem:$0x7FC];
	v1 =	vadd.f32 v1, v31  }
0x159: {  	s6 =	sld [smem:$0x7FD]  }
0x15a: {  	[tilespmem:v45+s13+$0x0] =	vst.idx.msk $0xffff, v1  }
0x15b: {  	v1 =	vld.idx.msk [tilespmem:v48+s5+$0x0], $0xffff  }
0x15c: {  	v45 =	vld.idx.msk [tilespmem:v48+s6+$0x0], $0xffff  }
0x15d: {  	v62 =	vld.idx.msk [tilespmem:v48+s14+$0x0], $0xffff  }
0x15e: {  	v63 =	vld.idx.msk [tilespmem:v48+s15+$0x0], $0xffff  }
0x15f: {  	v57 =	vld.idx.msk [tilespmem:v48+s16+$0x0], $0xffff  }
0x160: {  	v58 =	vld.idx.msk [tilespmem:v48+s17+$0x0], $0xffff  }
0x161: {  	v59 =	vld.idx.msk [tilespmem:v48+s18+$0x0], $0xffff  }
0x162: {  	v60 =	vld.idx.msk [tilespmem:v48+s19+$0x0], $0xffff;
	v1 =	vmul.f32 v1, v35;
	v47 =	vmul.f32 v62, v37  }
0x163: {  	v61 =	vld.idx.msk [tilespmem:v48+s20+$0x0], $0xffff;
	v45 =	vmul.f32 v45, v36;
	v49 =	vmul.f32 v63, v38  }
0x164: {  	v62 =	vmul.f32 v57, v39;
	v63 =	vld.idx.msk [tilespmem:v48+s21+$0x0], $0xffff  }
0x165: {  	v52 =	vmul.f32 v58, v40;
	v1 =	vadd.f32 v47, v1;
	v45 =	vadd.f32 v49, v45  }
0x166: {  	v53 =	vmul.f32 v59, v41  }
0x167: {  	v56 =	vmul.f32 v60, v43;
	v1 =	vadd.f32 v62, v1;
	v45 =	vadd.f32 v52, v45  }
0x168: {  	v57 =	vmul.f32 v61, v44  }
0x169: {  	v58 =	vmul.f32 v63, v46;
	v1 =	vadd.f32 v53, v1;
	v45 =	vadd.f32 v56, v45;
	_ =	sdelay $0x1  }
0x16a: {  	v1 =	vadd.f32 v57, v1;
	v45 =	vadd.f32 v58, v45;
	_ =	sdelay $0x1  }
0x16b: {  	v1 =	vadd.f32 v45, v1;
	_ =	sdelay $0x1  }
0x16c: {  	v1 =	vmul.f32 v1, v50;
	_ =	sdelay $0x1  }
0x16d: {  	v1 =	vadd.f32 v1, v32;
	_ =	sdelay $0x1  }
0x16e: {  	[tilespmem:v42+s13+$0x0] =	vst.idx.msk $0xffff, v1  }
0x16f: {  	v1 =	vld.idx.msk [tilespmem:v48+s22+$0x0], $0xffff  }
0x170: {  	v42 =	vld.idx.msk [tilespmem:v48+s23+$0x0], $0xffff  }
0x171: {  	v59 =	vld.idx.msk [tilespmem:v48+s24+$0x0], $0xffff  }
0x172: {  	v60 =	vld.idx.msk [tilespmem:v48+s25+$0x0], $0xffff  }
0x173: {  	v61 =	vld.idx.msk [tilespmem:v48+s26+$0x0], $0xffff  }
0x174: {  	v62 =	vld.idx.msk [tilespmem:v48+s28+$0x0], $0xffff  }
0x175: {  	v63 =	vld.idx.msk [tilespmem:v48+s29+$0x0], $0xffff  }
0x176: {  	v55 =	vld.idx.msk [tilespmem:v48+s30+$0x0], $0xffff;
	v1 =	vmul.f32 v1, v35;
	v54 =	vmul.f32 v59, v37  }
0x177: {  	v56 =	vld.idx.msk [tilespmem:v48+s31+$0x0], $0xffff;
	v36 =	vmul.f32 v42, v36;
	v38 =	vmul.f32 v60, v38  }
0x178: {  	v58 =	vld.idx.msk [tilespmem:v48+s0+$0x0], $0xffff;
	v57 =	vmul.f32 v61, v39  }
0x179: {  	v59 =	vmul.f32 v62, v40;
	v1 =	vadd.f32 v54, v1;
	v36 =	vadd.f32 v38, v36  }
0x17a: {  	v60 =	vmul.f32 v63, v41  }
0x17b: {  	v37 =	vmul.f32 v55, v43;
	v1 =	vadd.f32 v57, v1;
	v36 =	vadd.f32 v59, v36  }
0x17c: {  	v62 =	vmul.f32 v56, v44  }
0x17d: {  	v63 =	vmul.f32 v58, v46;
	v1 =	vadd.f32 v60, v1;
	v61 =	vadd.f32 v37, v36;
	_ =	sdelay $0x1  }
0x17e: {  	v1 =	vadd.f32 v62, v1;
	v35 =	vadd.f32 v63, v61;
	_ =	sdelay $0x1  }
0x17f: {  	v1 =	vadd.f32 v35, v1  }
0x180: {  	p0 =	sne.s32 s2, $0x2769  }
.Ltmp0:
0x181: {  	v1 =	vmul.f32 v1, v50;
	(pc) =	sbr.rel @p0 .LBB2_2-.Ltmp0, $3  }
0x182: {  	_ = 	snop  }
0x183: {  	v1 =	vadd.f32 v1, v33;
	_ =	sdelay $0x1  }
0x184: {  	s2 =	sadd.s32 $0xA0, s2;
	[tilespmem:v34+s13+$0x0] =	vst.idx.msk $0xffff, v1;
	v1 =	vimm.s32 $0x0  }
0x185: {  	s2 =	sld [smem:$0x7F4];
	s9 =	sadd.s32 $0x1, s9  }
0x186: {  	p0 =	sne.s32 s9, s7  }
.Ltmp1:
0x187: {  	_ = 	snop;
	(pc) =	sbr.rel @p0 .LBB2_1-.Ltmp1, $4  }
0x188: {  	[hbm4b:s2+s1] =	stream.linear.scatter [tilespmem:s13], [sflag:$0x4], $0x2800, $0x38;
	[tilespmem:$0x5400] =	vst v63  }
0x189: {  	_ =	swait.ge [sflag:s3], $0x2800  }
0x18a: {  	[sflag:s3] =	ssyncset.done $0x0  }
0x18b: {  	[sflag:s3] =	ssyncadd.s32 $0xFFFFD800  }
0x18c: {  	_ =	sfence.sel $0x180000  }
0x18d: {  	[bflag:$0x0] =	sbarrier.arrive $0xFFFF  }
0x18e: {  	_ =	strace $0x90000047  }
0x18f: {  	s0 =	stileid.u32;
	[bflag:$0x2] =	sbarrier.arrive $0xFFFF  }
0x190: {  	p0 =	sne.s32 s0, $0x0;
	s0 =	rddreg [dreg:$0x2]  }
0x191: {  	s0 =	sadd.s32 @!p0 $0x100000, s0  }
0x192: {  	[sflag:s0] =	ssyncadd.tile.s32 @!p0 $0x1;
	_ =	shalt  }
.Lfunc_end2:
_tile_overlayer_lowered:
.L_overlay_start_2:
0x193: {  	(tag) =	ssettag $0x2  }
0x194: {  	s0 =	rddreg [dreg:$0x0];
	s2 =	stileid.u32  }
0x195: {  	s1 =	rddreg [dreg:$0x1];
	p0 =	sne.s32 s2, $0x0  }
0x196: {  	s3 =	rddreg [dreg:$0x2];
	[bflag:$0x3] =	sbarrier.arrive $0xFFFF;
	s2 =	simm.s32 @!p0 $0x1C04  }
0x197: {  	[timem:s3], [sflag:s2] =	dma.local @!p0 [hbm:s0], s1  }
0x198: {  	s0 =	simm.s32 @!p0 $0x4  }
0x199: {  	_ =	swait.ge @!p0 [sflag:s0], s1  }
0x19a: {  	s1 =	ssub.s32 @!p0 $0x0, s1;
	[sflag:s0] =	ssyncset.done @!p0 $0x0  }
0x19b: {  	[sflag:s0] =	ssyncadd.s32 @!p0 s1  }
0x19c: {  	[bflag:$0x3] =	sbarrier.arrive $0xFFFF  }
0x19d: {  	_ =	shalt  }

</sc_bundles>
